<compile_context>
chip_gen: v7x
topology: tpu7x:2x2x1
jax: 0.10.2.dev20260603
libtpu: 0.0.44.dev20260713+nightly
codegen_flags: <defaults>
</compile_context>

<pallas_src>
import functools

import jax
import jax.numpy as jnp
from jax import lax
from jax.experimental import pallas as pl
from jax.experimental.pallas import tpu as pltpu
from jax.experimental.pallas import tpu_sc as plsc

BATCH = 16384
HIDDEN = 64
WIDE = 2 * HIDDEN

NUM_CORES = 2
NUM_SUBCORES = 16
NUM_WORKERS = NUM_CORES * NUM_SUBCORES
B_PER_W = BATCH // NUM_WORKERS
CHUNK = 64
N_CHUNKS = B_PER_W // CHUNK

_SC_MESH = plsc.VectorSubcoreMesh(core_axis_name="c", subcore_axis_name="s")



_PRJ_BLOCK = 32768


def _project_body(tt, w, o):
    p = jax.lax.dot_general(tt[...].astype(jnp.bfloat16),
                            w[...].astype(jnp.bfloat16),
                            (((0,), (0,)), ((), ())),
                            preferred_element_type=jnp.float32)
    o[...] = pltpu.bitcast(p.astype(jnp.bfloat16), jnp.float32)


def _project(tt, w, n_rows):
    nb = pl.cdiv(n_rows, _PRJ_BLOCK)
    return pl.pallas_call(
        _project_body,
        grid=(nb,),
        in_specs=[
            pl.BlockSpec((HIDDEN, _PRJ_BLOCK), lambda i: (0, i)),
            pl.BlockSpec((HIDDEN, WIDE), lambda i: (0, 0)),
        ],
        out_specs=pl.BlockSpec((_PRJ_BLOCK // 2, WIDE), lambda i: (i, 0)),
        out_shape=jax.ShapeDtypeStruct((n_rows // 2, WIDE), jnp.float32),
        compiler_params=pltpu.CompilerParams(
            dimension_semantics=("parallel",)),
    )(tt, w)



@functools.partial(
    pl.kernel,
    mesh=_SC_MESH,
    out_type=[
        jax.ShapeDtypeStruct((BATCH, WIDE), jnp.float32),
        jax.ShapeDtypeStruct((BATCH, WIDE), jnp.float32),
    ],
    scratch_types=[
        pltpu.VMEM((N_CHUNKS, CHUNK), jnp.int32),
        pltpu.VMEM((N_CHUNKS, CHUNK), jnp.int32),
        pltpu.VMEM((CHUNK, WIDE), jnp.float32),
        pltpu.VMEM((CHUNK, WIDE), jnp.float32),
        pltpu.VMEM((CHUNK, WIDE), jnp.float32),
        pltpu.VMEM((CHUNK, WIDE), jnp.float32),
        pltpu.SemaphoreType.DMA,
        pltpu.SemaphoreType.DMA,
        pltpu.SemaphoreType.DMA,
        pltpu.SemaphoreType.DMA,
    ],
)
def _sc_gather(u_idx_hbm, i_idx_hbm, pu_hbm, pi_hbm, uo_hbm, io_hbm,
               uidx_v, iidx_v, urows0, urows1, irows0, irows1,
               sem_u0, sem_u1, sem_i0, sem_i1):
    wid = lax.axis_index("s") * NUM_CORES + lax.axis_index("c")
    base = wid * B_PER_W
    pltpu.sync_copy(u_idx_hbm.at[pl.ds(wid * N_CHUNKS, N_CHUNKS)], uidx_v)
    pltpu.sync_copy(i_idx_hbm.at[pl.ds(wid * N_CHUNKS, N_CHUNKS)], iidx_v)

    ubufs = (urows0, urows1)
    ibufs = (irows0, irows1)
    usems = (sem_u0, sem_u1)
    isems = (sem_i0, sem_i1)
    gathers = [None, None]
    for j in range(N_CHUNKS):
        b = j % 2
        gathers[b] = (
            pltpu.async_copy(pu_hbm.at[uidx_v.at[j]], ubufs[b], usems[b]),
            pltpu.async_copy(pi_hbm.at[iidx_v.at[j]], ibufs[b], isems[b]),
        )
        if j > 0:
            p = (j - 1) % 2
            gu, gi = gathers[p]
            gu.wait()
            gi.wait()
            off = base + (j - 1) * CHUNK
            pltpu.sync_copy(ubufs[p], uo_hbm.at[pl.ds(off, CHUNK)])
            pltpu.sync_copy(ibufs[p], io_hbm.at[pl.ds(off, CHUNK)])
    lb = (N_CHUNKS - 1) % 2
    gu, gi = gathers[lb]
    gu.wait()
    gi.wait()
    off = base + (N_CHUNKS - 1) * CHUNK
    pltpu.sync_copy(ubufs[lb], uo_hbm.at[pl.ds(off, CHUNK)])
    pltpu.sync_copy(ibufs[lb], io_hbm.at[pl.ds(off, CHUNK)])



_MLP_BLOCK = 2048


def _unpack_select(packed, parity):
    g = pltpu.bitcast(packed, jnp.uint32)
    lo = pltpu.bitcast(g << jnp.uint32(16), jnp.float32)
    hi = pltpu.bitcast(g & jnp.uint32(0xFFFF0000), jnp.float32)
    return jnp.where(parity > 0, hi, lo)


def _tail_body(pu, pi, su, si, b1, w2, b2, w3, b3, o):
    eu = _unpack_select(pu[...][:, :HIDDEN], su[...])
    ei = _unpack_select(pi[...][:, HIDDEN:], si[...])
    h = jnp.maximum(eu + ei + b1[...], 0.0)
    h = jnp.dot(h, w2[...], preferred_element_type=jnp.float32) + b2[...]
    h = jnp.maximum(h, 0.0)
    z = jnp.dot(h, w3[...], preferred_element_type=jnp.float32) + b3[...]
    o[...] = jax.nn.sigmoid(z)


def _tail(pu, pi, su, si, b1, w2, b2, w3, b3):
    nb = BATCH // _MLP_BLOCK
    const = lambda *_: (0, 0)
    return pl.pallas_call(
        _tail_body,
        grid=(nb,),
        in_specs=[
            pl.BlockSpec((_MLP_BLOCK, WIDE), lambda i: (i, 0)),
            pl.BlockSpec((_MLP_BLOCK, WIDE), lambda i: (i, 0)),
            pl.BlockSpec((_MLP_BLOCK, 1), lambda i: (i, 0)),
            pl.BlockSpec((_MLP_BLOCK, 1), lambda i: (i, 0)),
            pl.BlockSpec((1, HIDDEN), const),
            pl.BlockSpec((HIDDEN, HIDDEN // 2), const),
            pl.BlockSpec((1, HIDDEN // 2), const),
            pl.BlockSpec((HIDDEN // 2, 1), const),
            pl.BlockSpec((1, 1), const),
        ],
        out_specs=pl.BlockSpec((_MLP_BLOCK, 1), lambda i: (i, 0)),
        out_shape=jax.ShapeDtypeStruct((BATCH, 1), jnp.float32),
        compiler_params=pltpu.CompilerParams(
            dimension_semantics=("parallel",)),
    )(pu, pi, su, si, b1, w2, b2, w3, b3)


def kernel(user, item, user_table, item_table, W1, b1, W2, b2, W3, b3):
    user = user.astype(jnp.int32)
    item = item.astype(jnp.int32)
    w1u_pad = jnp.pad(W1[:HIDDEN], ((0, 0), (0, HIDDEN)))
    w1v_pad = jnp.pad(W1[HIDDEN:], ((0, 0), (HIDDEN, 0)))
    pu_w = _project(user_table.T, w1u_pad, user_table.shape[0])
    pi_w = _project(item_table.T, w1v_pad, item_table.shape[0])
    u2d = (user // 2).reshape(BATCH // CHUNK, CHUNK)
    i2d = (item // 2).reshape(BATCH // CHUNK, CHUNK)
    gu, gi = _sc_gather(u2d, i2d, pu_w, pi_w)
    su = (user % 2).astype(jnp.float32).reshape(BATCH, 1)
    si = (item % 2).astype(jnp.float32).reshape(BATCH, 1)
    return _tail(gu, gi, su, si,
                 b1.reshape(1, HIDDEN), W2, b2.reshape(1, HIDDEN // 2),
                 W3, b3.reshape(1, 1))

# --- scband reference (transcript-rebuilt; emitter-appended) ---
"""Pipeline reference for scband-ncf-8229157339234 (READ-ONLY COPY).

The authoritative reference and input builder live on the scoring server;
editing this copy changes nothing except your own understanding.
"""

import jax, jax.numpy as jnp
import numpy as np

NUM_USERS = 1000000
NUM_ITEMS = 100000
HIDDEN = 64
BATCH = 16384

def setup_inputs(seed: int = 0) -> dict:
    key = jax.random.key(seed)
    ks = jax.random.split(key, 10)
    user = jax.random.randint(ks[0], (BATCH,), 0, NUM_USERS, dtype=jnp.int64 if jax.config.jax_enable_x64 else jnp.int32)
    item = jax.random.randint(ks[1], (BATCH,), 0, NUM_ITEMS, dtype=jnp.int64 if jax.config.jax_enable_x64 else jnp.int32)
    user_table = jax.random.normal(ks[2], (NUM_USERS, HIDDEN), dtype=jnp.float32) * 0.02
    item_table = jax.random.normal(ks[3], (NUM_ITEMS, HIDDEN), dtype=jnp.float32) * 0.02
    W1 = jax.random.normal(ks[4], (HIDDEN * 2, HIDDEN), dtype=jnp.float32) * (1.0 / np.sqrt(HIDDEN * 2))
    b1 = jnp.zeros((HIDDEN,), dtype=jnp.float32)
    W2 = jax.random.normal(ks[5], (HIDDEN, HIDDEN // 2), dtype=jnp.float32) * (1.0 / np.sqrt(HIDDEN))
    b2 = jnp.zeros((HIDDEN // 2,), dtype=jnp.float32)
    W3 = jax.random.normal(ks[6], (HIDDEN // 2, 1), dtype=jnp.float32) * (1.0 / np.sqrt(HIDDEN // 2))
    b3 = jnp.zeros((1,), dtype=jnp.float32)
    return {"user": user, "item": item, "user_table": user_table, "item_table": item_table,
            "W1": W1, "b1": b1, "W2": W2, "b2": b2, "W3": W3, "b3": b3}

def reference(user, item, user_table, item_table, W1, b1, W2, b2, W3, b3):
    user_emb = jnp.take(user_table, user, axis=0)   # [B, H] embedding gather
    item_emb = jnp.take(item_table, item, axis=0)   # [B, H] embedding gather
    outs = jnp.concatenate([user_emb, item_emb], axis=-1)  # [B, 2H]
    h = jax.nn.relu(outs @ W1 + b1)
    h = jax.nn.relu(h @ W2 + b2)
    h = h @ W3 + b3
    return jax.nn.sigmoid(h)  # [B, 1]

if __name__ == "__main__":
    import jax
    _d = setup_inputs()
    print(jax.jit(kernel)(*tuple(_d.values())))

</pallas_src>

<mosaic_0001>
#map = affine_map<(d0, d1) -> (0, 0)>
module attributes {stable_mosaic.version = 14 : i64} {
  func.func @_sc_gather(%arg0: i32, %arg1: i32, %arg2: memref<256x64xi32, #tpu.memory_space<hbm>>, %arg3: memref<256x64xi32, #tpu.memory_space<hbm>>, %arg4: memref<500000x128xf32, #tpu.memory_space<hbm>>, %arg5: memref<50000x128xf32, #tpu.memory_space<hbm>>, %arg6: memref<16384x128xf32, #tpu.memory_space<hbm>>, %arg7: memref<16384x128xf32, #tpu.memory_space<hbm>>, %arg8: memref<8x64xi32, #tpu.memory_space<vmem>>, %arg9: memref<8x64xi32, #tpu.memory_space<vmem>>, %arg10: memref<64x128xf32, #tpu.memory_space<vmem>>, %arg11: memref<64x128xf32, #tpu.memory_space<vmem>>, %arg12: memref<64x128xf32, #tpu.memory_space<vmem>>, %arg13: memref<64x128xf32, #tpu.memory_space<vmem>>, %arg14: memref<!tpu.dma_semaphore, #tpu.memory_space<semaphore_mem>>, %arg15: memref<!tpu.dma_semaphore, #tpu.memory_space<semaphore_mem>>, %arg16: memref<!tpu.dma_semaphore, #tpu.memory_space<semaphore_mem>>, %arg17: memref<!tpu.dma_semaphore, #tpu.memory_space<semaphore_mem>>) attributes {dimension_semantics = [#tpu.dimension_semantics<core_parallel>, #tpu.dimension_semantics<subcore_parallel>], iteration_bounds = array<i64: 2, 16>, scalar_prefetch = 0 : i64, scratch_operands = 10 : i64, tpu.core_type = #tpu.core_type<sc_vector_subcore>, window_params = [{transform_indices = #map}, {transform_indices = #map}, {transform_indices = #map}, {transform_indices = #map}, {transform_indices = #map}, {transform_indices = #map}]} {
    %mul3A = arith.constant 2 : i32
    %mul3A_0 = arith.muli %arg1, %mul3A : i32
    %add3A = arith.addi %mul3A_0, %arg0 : i32
    %mul3A_1 = arith.constant 512 : i32
    %mul3A_2 = arith.muli %add3A, %mul3A_1 : i32
    %mul3A_3 = arith.constant 8 : i32
    %mul3A_4 = arith.muli %add3A, %mul3A_3 : i32
    "tpu.region"() ({
      %run_scoped3A = tpu.sem_alloc : memref<!tpu.dma_semaphore, #tpu.memory_space<semaphore_mem>>
      %dma_start3A_245 = arith.constant 0 : i32
      %dma_start3A_246 = tpu.memref_slice %arg2[%mul3A_4, %dma_start3A_245] : memref<256x64xi32, #tpu.memory_space<hbm>> -> memref<8x64xi32, #tpu.memory_space<hbm>>
      %dma_start3A_247 = arith.constant 0 : i32
      %dma_start3A_248 = tpu.memref_slice %arg2[%mul3A_4, %dma_start3A_247] : memref<256x64xi32, #tpu.memory_space<hbm>> -> memref<8x64xi32, #tpu.memory_space<hbm>>
      tpu.enqueue_dma source(%dma_start3A_248 : memref<8x64xi32, #tpu.memory_space<hbm>>) target(%arg8 : memref<8x64xi32, #tpu.memory_space<vmem>>) target_semaphore(%run_scoped3A : memref<!tpu.dma_semaphore, #tpu.memory_space<semaphore_mem>>)
      %dma_wait3A_249 = arith.constant 0 : i32
      %dma_wait3A_250 = tpu.memref_slice %arg2[%mul3A_4, %dma_wait3A_249] : memref<256x64xi32, #tpu.memory_space<hbm>> -> memref<8x64xi32, #tpu.memory_space<hbm>>
      %dma_wait3A_251 = arith.constant 0 : i32
      %dma_wait3A_252 = tpu.memref_slice %arg2[%mul3A_4, %dma_wait3A_251] : memref<256x64xi32, #tpu.memory_space<hbm>> -> memref<8x64xi32, #tpu.memory_space<hbm>>
      tpu.wait_dma2 semaphore(%run_scoped3A : memref<!tpu.dma_semaphore, #tpu.memory_space<semaphore_mem>>) src(%dma_wait3A_252 : memref<8x64xi32, #tpu.memory_space<hbm>>) dst(%arg8 : memref<8x64xi32, #tpu.memory_space<vmem>>)
      tpu.yield
    }) : () -> ()
    %mul3A_5 = arith.constant 8 : i32
    %mul3A_6 = arith.muli %add3A, %mul3A_5 : i32
    "tpu.region"() ({
      %run_scoped3A = tpu.sem_alloc : memref<!tpu.dma_semaphore, #tpu.memory_space<semaphore_mem>>
      %dma_start3A_245 = arith.constant 0 : i32
      %dma_start3A_246 = tpu.memref_slice %arg3[%mul3A_6, %dma_start3A_245] : memref<256x64xi32, #tpu.memory_space<hbm>> -> memref<8x64xi32, #tpu.memory_space<hbm>>
      %dma_start3A_247 = arith.constant 0 : i32
      %dma_start3A_248 = tpu.memref_slice %arg3[%mul3A_6, %dma_start3A_247] : memref<256x64xi32, #tpu.memory_space<hbm>> -> memref<8x64xi32, #tpu.memory_space<hbm>>
      tpu.enqueue_dma source(%dma_start3A_248 : memref<8x64xi32, #tpu.memory_space<hbm>>) target(%arg9 : memref<8x64xi32, #tpu.memory_space<vmem>>) target_semaphore(%run_scoped3A : memref<!tpu.dma_semaphore, #tpu.memory_space<semaphore_mem>>)
      %dma_wait3A_249 = arith.constant 0 : i32
      %dma_wait3A_250 = tpu.memref_slice %arg3[%mul3A_6, %dma_wait3A_249] : memref<256x64xi32, #tpu.memory_space<hbm>> -> memref<8x64xi32, #tpu.memory_space<hbm>>
      %dma_wait3A_251 = arith.constant 0 : i32
      %dma_wait3A_252 = tpu.memref_slice %arg3[%mul3A_6, %dma_wait3A_251] : memref<256x64xi32, #tpu.memory_space<hbm>> -> memref<8x64xi32, #tpu.memory_space<hbm>>
      tpu.wait_dma2 semaphore(%run_scoped3A : memref<!tpu.dma_semaphore, #tpu.memory_space<semaphore_mem>>) src(%dma_wait3A_252 : memref<8x64xi32, #tpu.memory_space<hbm>>) dst(%arg9 : memref<8x64xi32, #tpu.memory_space<vmem>>)
      tpu.yield
    }) : () -> ()
    %dma_start3A = arith.constant 0 : i32
    %dma_start3A_7 = arith.constant 0 : i32
    %dma_start3A_8 = tpu.memref_slice %arg8[%dma_start3A, %dma_start3A_7] : memref<8x64xi32, #tpu.memory_space<vmem>> -> memref<1x64xi32, #tpu.memory_space<vmem>>
    %dma_start3A_9 = tpu.memref_squeeze %dma_start3A_8 : memref<1x64xi32, #tpu.memory_space<vmem>> -> memref<64xi32, #tpu.memory_space<vmem>>
    %dma_start3A_10 = arith.constant 0 : i32
    %dma_start3A_11 = arith.constant 0 : i32
    %dma_start3A_12 = tpu.memref_slice %arg4[%dma_start3A_10, %dma_start3A_11] : memref<500000x128xf32, #tpu.memory_space<hbm>> -> memref<500000x128xf32, #tpu.memory_space<hbm>>
    tpu.enqueue_indirect_dma source(%dma_start3A_12 : memref<500000x128xf32, #tpu.memory_space<hbm>>) target(%arg10 : memref<64x128xf32, #tpu.memory_space<vmem>>) offsets(%dma_start3A_9 : memref<64xi32, #tpu.memory_space<vmem>>) semaphore(%arg14 : memref<!tpu.dma_semaphore, #tpu.memory_space<semaphore_mem>>)
    %dma_start3A_13 = arith.constant 0 : i32
    %dma_start3A_14 = arith.constant 0 : i32
    %dma_start3A_15 = tpu.memref_slice %arg9[%dma_start3A_13, %dma_start3A_14] : memref<8x64xi32, #tpu.memory_space<vmem>> -> memref<1x64xi32, #tpu.memory_space<vmem>>
    %dma_start3A_16 = tpu.memref_squeeze %dma_start3A_15 : memref<1x64xi32, #tpu.memory_space<vmem>> -> memref<64xi32, #tpu.memory_space<vmem>>
    %dma_start3A_17 = arith.constant 0 : i32
    %dma_start3A_18 = arith.constant 0 : i32
    %dma_start3A_19 = tpu.memref_slice %arg5[%dma_start3A_17, %dma_start3A_18] : memref<50000x128xf32, #tpu.memory_space<hbm>> -> memref<50000x128xf32, #tpu.memory_space<hbm>>
    tpu.enqueue_indirect_dma source(%dma_start3A_19 : memref<50000x128xf32, #tpu.memory_space<hbm>>) target(%arg12 : memref<64x128xf32, #tpu.memory_space<vmem>>) offsets(%dma_start3A_16 : memref<64xi32, #tpu.memory_space<vmem>>) semaphore(%arg16 : memref<!tpu.dma_semaphore, #tpu.memory_space<semaphore_mem>>)
    %dma_start3A_20 = arith.constant 1 : i32
    %dma_start3A_21 = arith.constant 0 : i32
    %dma_start3A_22 = tpu.memref_slice %arg8[%dma_start3A_20, %dma_start3A_21] : memref<8x64xi32, #tpu.memory_space<vmem>> -> memref<1x64xi32, #tpu.memory_space<vmem>>
    %dma_start3A_23 = tpu.memref_squeeze %dma_start3A_22 : memref<1x64xi32, #tpu.memory_space<vmem>> -> memref<64xi32, #tpu.memory_space<vmem>>
    %dma_start3A_24 = arith.constant 0 : i32
    %dma_start3A_25 = arith.constant 0 : i32
    %dma_start3A_26 = tpu.memref_slice %arg4[%dma_start3A_24, %dma_start3A_25] : memref<500000x128xf32, #tpu.memory_space<hbm>> -> memref<500000x128xf32, #tpu.memory_space<hbm>>
    tpu.enqueue_indirect_dma source(%dma_start3A_26 : memref<500000x128xf32, #tpu.memory_space<hbm>>) target(%arg11 : memref<64x128xf32, #tpu.memory_space<vmem>>) offsets(%dma_start3A_23 : memref<64xi32, #tpu.memory_space<vmem>>) semaphore(%arg15 : memref<!tpu.dma_semaphore, #tpu.memory_space<semaphore_mem>>)
    %dma_start3A_27 = arith.constant 1 : i32
    %dma_start3A_28 = arith.constant 0 : i32
    %dma_start3A_29 = tpu.memref_slice %arg9[%dma_start3A_27, %dma_start3A_28] : memref<8x64xi32, #tpu.memory_space<vmem>> -> memref<1x64xi32, #tpu.memory_space<vmem>>
    %dma_start3A_30 = tpu.memref_squeeze %dma_start3A_29 : memref<1x64xi32, #tpu.memory_space<vmem>> -> memref<64xi32, #tpu.memory_space<vmem>>
    %dma_start3A_31 = arith.constant 0 : i32
    %dma_start3A_32 = arith.constant 0 : i32
    %dma_start3A_33 = tpu.memref_slice %arg5[%dma_start3A_31, %dma_start3A_32] : memref<50000x128xf32, #tpu.memory_space<hbm>> -> memref<50000x128xf32, #tpu.memory_space<hbm>>
    tpu.enqueue_indirect_dma source(%dma_start3A_33 : memref<50000x128xf32, #tpu.memory_space<hbm>>) target(%arg13 : memref<64x128xf32, #tpu.memory_space<vmem>>) offsets(%dma_start3A_30 : memref<64xi32, #tpu.memory_space<vmem>>) semaphore(%arg17 : memref<!tpu.dma_semaphore, #tpu.memory_space<semaphore_mem>>)
    %dma_wait3A = arith.constant 0 : i32
    %dma_wait3A_34 = arith.constant 0 : i32
    %dma_wait3A_35 = tpu.memref_slice %arg8[%dma_wait3A, %dma_wait3A_34] : memref<8x64xi32, #tpu.memory_space<vmem>> -> memref<1x64xi32, #tpu.memory_space<vmem>>
    %dma_wait3A_36 = tpu.memref_squeeze %dma_wait3A_35 : memref<1x64xi32, #tpu.memory_space<vmem>> -> memref<64xi32, #tpu.memory_space<vmem>>
    %dma_wait3A_37 = arith.constant 0 : i32
    %dma_wait3A_38 = arith.constant 0 : i32
    %dma_wait3A_39 = tpu.memref_slice %arg4[%dma_wait3A_37, %dma_wait3A_38] : memref<500000x128xf32, #tpu.memory_space<hbm>> -> memref<500000x128xf32, #tpu.memory_space<hbm>>
    tpu.wait_indirect_dma semaphore(%arg14 : memref<!tpu.dma_semaphore, #tpu.memory_space<semaphore_mem>>) src(%dma_wait3A_39 : memref<500000x128xf32, #tpu.memory_space<hbm>>) dst(%arg10 : memref<64x128xf32, #tpu.memory_space<vmem>>)
    %dma_wait3A_40 = arith.constant 0 : i32
    %dma_wait3A_41 = arith.constant 0 : i32
    %dma_wait3A_42 = tpu.memref_slice %arg9[%dma_wait3A_40, %dma_wait3A_41] : memref<8x64xi32, #tpu.memory_space<vmem>> -> memref<1x64xi32, #tpu.memory_space<vmem>>
    %dma_wait3A_43 = tpu.memref_squeeze %dma_wait3A_42 : memref<1x64xi32, #tpu.memory_space<vmem>> -> memref<64xi32, #tpu.memory_space<vmem>>
    %dma_wait3A_44 = arith.constant 0 : i32
    %dma_wait3A_45 = arith.constant 0 : i32
    %dma_wait3A_46 = tpu.memref_slice %arg5[%dma_wait3A_44, %dma_wait3A_45] : memref<50000x128xf32, #tpu.memory_space<hbm>> -> memref<50000x128xf32, #tpu.memory_space<hbm>>
    tpu.wait_indirect_dma semaphore(%arg16 : memref<!tpu.dma_semaphore, #tpu.memory_space<semaphore_mem>>) src(%dma_wait3A_46 : memref<50000x128xf32, #tpu.memory_space<hbm>>) dst(%arg12 : memref<64x128xf32, #tpu.memory_space<vmem>>)
    %add3A_47 = arith.constant 0 : i32
    %add3A_48 = arith.addi %mul3A_2, %add3A_47 : i32
    "tpu.region"() ({
      %run_scoped3A = tpu.sem_alloc : memref<!tpu.dma_semaphore, #tpu.memory_space<semaphore_mem>>
      %dma_start3A_245 = arith.constant 0 : i32
      %dma_start3A_246 = tpu.memref_slice %arg6[%add3A_48, %dma_start3A_245] : memref<16384x128xf32, #tpu.memory_space<hbm>> -> memref<64x128xf32, #tpu.memory_space<hbm>>
      %dma_start3A_247 = arith.constant 0 : i32
      %dma_start3A_248 = tpu.memref_slice %arg6[%add3A_48, %dma_start3A_247] : memref<16384x128xf32, #tpu.memory_space<hbm>> -> memref<64x128xf32, #tpu.memory_space<hbm>>
      tpu.enqueue_dma source(%arg10 : memref<64x128xf32, #tpu.memory_space<vmem>>) target(%dma_start3A_248 : memref<64x128xf32, #tpu.memory_space<hbm>>) target_semaphore(%run_scoped3A : memref<!tpu.dma_semaphore, #tpu.memory_space<semaphore_mem>>)
      %dma_wait3A_249 = arith.constant 0 : i32
      %dma_wait3A_250 = tpu.memref_slice %arg6[%add3A_48, %dma_wait3A_249] : memref<16384x128xf32, #tpu.memory_space<hbm>> -> memref<64x128xf32, #tpu.memory_space<hbm>>
      %dma_wait3A_251 = arith.constant 0 : i32
      %dma_wait3A_252 = tpu.memref_slice %arg6[%add3A_48, %dma_wait3A_251] : memref<16384x128xf32, #tpu.memory_space<hbm>> -> memref<64x128xf32, #tpu.memory_space<hbm>>
      tpu.wait_dma2 semaphore(%run_scoped3A : memref<!tpu.dma_semaphore, #tpu.memory_space<semaphore_mem>>) src(%arg10 : memref<64x128xf32, #tpu.memory_space<vmem>>) dst(%dma_wait3A_252 : memref<64x128xf32, #tpu.memory_space<hbm>>)
      tpu.yield
    }) : () -> ()
    "tpu.region"() ({
      %run_scoped3A = tpu.sem_alloc : memref<!tpu.dma_semaphore, #tpu.memory_space<semaphore_mem>>
      %dma_start3A_245 = arith.constant 0 : i32
      %dma_start3A_246 = tpu.memref_slice %arg7[%add3A_48, %dma_start3A_245] : memref<16384x128xf32, #tpu.memory_space<hbm>> -> memref<64x128xf32, #tpu.memory_space<hbm>>
      %dma_start3A_247 = arith.constant 0 : i32
      %dma_start3A_248 = tpu.memref_slice %arg7[%add3A_48, %dma_start3A_247] : memref<16384x128xf32, #tpu.memory_space<hbm>> -> memref<64x128xf32, #tpu.memory_space<hbm>>
      tpu.enqueue_dma source(%arg12 : memref<64x128xf32, #tpu.memory_space<vmem>>) target(%dma_start3A_248 : memref<64x128xf32, #tpu.memory_space<hbm>>) target_semaphore(%run_scoped3A : memref<!tpu.dma_semaphore, #tpu.memory_space<semaphore_mem>>)
      %dma_wait3A_249 = arith.constant 0 : i32
      %dma_wait3A_250 = tpu.memref_slice %arg7[%add3A_48, %dma_wait3A_249] : memref<16384x128xf32, #tpu.memory_space<hbm>> -> memref<64x128xf32, #tpu.memory_space<hbm>>
      %dma_wait3A_251 = arith.constant 0 : i32
      %dma_wait3A_252 = tpu.memref_slice %arg7[%add3A_48, %dma_wait3A_251] : memref<16384x128xf32, #tpu.memory_space<hbm>> -> memref<64x128xf32, #tpu.memory_space<hbm>>
      tpu.wait_dma2 semaphore(%run_scoped3A : memref<!tpu.dma_semaphore, #tpu.memory_space<semaphore_mem>>) src(%arg12 : memref<64x128xf32, #tpu.memory_space<vmem>>) dst(%dma_wait3A_252 : memref<64x128xf32, #tpu.memory_space<hbm>>)
      tpu.yield
    }) : () -> ()
    %dma_start3A_49 = arith.constant 2 : i32
    %dma_start3A_50 = arith.constant 0 : i32
    %dma_start3A_51 = tpu.memref_slice %arg8[%dma_start3A_49, %dma_start3A_50] : memref<8x64xi32, #tpu.memory_space<vmem>> -> memref<1x64xi32, #tpu.memory_space<vmem>>
    %dma_start3A_52 = tpu.memref_squeeze %dma_start3A_51 : memref<1x64xi32, #tpu.memory_space<vmem>> -> memref<64xi32, #tpu.memory_space<vmem>>
    %dma_start3A_53 = arith.constant 0 : i32
    %dma_start3A_54 = arith.constant 0 : i32
    %dma_start3A_55 = tpu.memref_slice %arg4[%dma_start3A_53, %dma_start3A_54] : memref<500000x128xf32, #tpu.memory_space<hbm>> -> memref<500000x128xf32, #tpu.memory_space<hbm>>
    tpu.enqueue_indirect_dma source(%dma_start3A_55 : memref<500000x128xf32, #tpu.memory_space<hbm>>) target(%arg10 : memref<64x128xf32, #tpu.memory_space<vmem>>) offsets(%dma_start3A_52 : memref<64xi32, #tpu.memory_space<vmem>>) semaphore(%arg14 : memref<!tpu.dma_semaphore, #tpu.memory_space<semaphore_mem>>)
    %dma_start3A_56 = arith.constant 2 : i32
    %dma_start3A_57 = arith.constant 0 : i32
    %dma_start3A_58 = tpu.memref_slice %arg9[%dma_start3A_56, %dma_start3A_57] : memref<8x64xi32, #tpu.memory_space<vmem>> -> memref<1x64xi32, #tpu.memory_space<vmem>>
    %dma_start3A_59 = tpu.memref_squeeze %dma_start3A_58 : memref<1x64xi32, #tpu.memory_space<vmem>> -> memref<64xi32, #tpu.memory_space<vmem>>
    %dma_start3A_60 = arith.constant 0 : i32
    %dma_start3A_61 = arith.constant 0 : i32
    %dma_start3A_62 = tpu.memref_slice %arg5[%dma_start3A_60, %dma_start3A_61] : memref<50000x128xf32, #tpu.memory_space<hbm>> -> memref<50000x128xf32, #tpu.memory_space<hbm>>
    tpu.enqueue_indirect_dma source(%dma_start3A_62 : memref<50000x128xf32, #tpu.memory_space<hbm>>) target(%arg12 : memref<64x128xf32, #tpu.memory_space<vmem>>) offsets(%dma_start3A_59 : memref<64xi32, #tpu.memory_space<vmem>>) semaphore(%arg16 : memref<!tpu.dma_semaphore, #tpu.memory_space<semaphore_mem>>)
    %dma_wait3A_63 = arith.constant 1 : i32
    %dma_wait3A_64 = arith.constant 0 : i32
    %dma_wait3A_65 = tpu.memref_slice %arg8[%dma_wait3A_63, %dma_wait3A_64] : memref<8x64xi32, #tpu.memory_space<vmem>> -> memref<1x64xi32, #tpu.memory_space<vmem>>
    %dma_wait3A_66 = tpu.memref_squeeze %dma_wait3A_65 : memref<1x64xi32, #tpu.memory_space<vmem>> -> memref<64xi32, #tpu.memory_space<vmem>>
    %dma_wait3A_67 = arith.constant 0 : i32
    %dma_wait3A_68 = arith.constant 0 : i32
    %dma_wait3A_69 = tpu.memref_slice %arg4[%dma_wait3A_67, %dma_wait3A_68] : memref<500000x128xf32, #tpu.memory_space<hbm>> -> memref<500000x128xf32, #tpu.memory_space<hbm>>
    tpu.wait_indirect_dma semaphore(%arg15 : memref<!tpu.dma_semaphore, #tpu.memory_space<semaphore_mem>>) src(%dma_wait3A_69 : memref<500000x128xf32, #tpu.memory_space<hbm>>) dst(%arg11 : memref<64x128xf32, #tpu.memory_space<vmem>>)
    %dma_wait3A_70 = arith.constant 1 : i32
    %dma_wait3A_71 = arith.constant 0 : i32
    %dma_wait3A_72 = tpu.memref_slice %arg9[%dma_wait3A_70, %dma_wait3A_71] : memref<8x64xi32, #tpu.memory_space<vmem>> -> memref<1x64xi32, #tpu.memory_space<vmem>>
    %dma_wait3A_73 = tpu.memref_squeeze %dma_wait3A_72 : memref<1x64xi32, #tpu.memory_space<vmem>> -> memref<64xi32, #tpu.memory_space<vmem>>
    %dma_wait3A_74 = arith.constant 0 : i32
    %dma_wait3A_75 = arith.constant 0 : i32
    %dma_wait3A_76 = tpu.memref_slice %arg5[%dma_wait3A_74, %dma_wait3A_75] : memref<50000x128xf32, #tpu.memory_space<hbm>> -> memref<50000x128xf32, #tpu.memory_space<hbm>>
    tpu.wait_indirect_dma semaphore(%arg17 : memref<!tpu.dma_semaphore, #tpu.memory_space<semaphore_mem>>) src(%dma_wait3A_76 : memref<50000x128xf32, #tpu.memory_space<hbm>>) dst(%arg13 : memref<64x128xf32, #tpu.memory_space<vmem>>)
    %add3A_77 = arith.constant 64 : i32
    %add3A_78 = arith.addi %mul3A_2, %add3A_77 : i32
    "tpu.region"() ({
      %run_scoped3A = tpu.sem_alloc : memref<!tpu.dma_semaphore, #tpu.memory_space<semaphore_mem>>
      %dma_start3A_245 = arith.constant 0 : i32
      %dma_start3A_246 = tpu.memref_slice %arg6[%add3A_78, %dma_start3A_245] : memref<16384x128xf32, #tpu.memory_space<hbm>> -> memref<64x128xf32, #tpu.memory_space<hbm>>
      %dma_start3A_247 = arith.constant 0 : i32
      %dma_start3A_248 = tpu.memref_slice %arg6[%add3A_78, %dma_start3A_247] : memref<16384x128xf32, #tpu.memory_space<hbm>> -> memref<64x128xf32, #tpu.memory_space<hbm>>
      tpu.enqueue_dma source(%arg11 : memref<64x128xf32, #tpu.memory_space<vmem>>) target(%dma_start3A_248 : memref<64x128xf32, #tpu.memory_space<hbm>>) target_semaphore(%run_scoped3A : memref<!tpu.dma_semaphore, #tpu.memory_space<semaphore_mem>>)
      %dma_wait3A_249 = arith.constant 0 : i32
      %dma_wait3A_250 = tpu.memref_slice %arg6[%add3A_78, %dma_wait3A_249] : memref<16384x128xf32, #tpu.memory_space<hbm>> -> memref<64x128xf32, #tpu.memory_space<hbm>>
      %dma_wait3A_251 = arith.constant 0 : i32
      %dma_wait3A_252 = tpu.memref_slice %arg6[%add3A_78, %dma_wait3A_251] : memref<16384x128xf32, #tpu.memory_space<hbm>> -> memref<64x128xf32, #tpu.memory_space<hbm>>
      tpu.wait_dma2 semaphore(%run_scoped3A : memref<!tpu.dma_semaphore, #tpu.memory_space<semaphore_mem>>) src(%arg11 : memref<64x128xf32, #tpu.memory_space<vmem>>) dst(%dma_wait3A_252 : memref<64x128xf32, #tpu.memory_space<hbm>>)
      tpu.yield
    }) : () -> ()
    "tpu.region"() ({
      %run_scoped3A = tpu.sem_alloc : memref<!tpu.dma_semaphore, #tpu.memory_space<semaphore_mem>>
      %dma_start3A_245 = arith.constant 0 : i32
      %dma_start3A_246 = tpu.memref_slice %arg7[%add3A_78, %dma_start3A_245] : memref<16384x128xf32, #tpu.memory_space<hbm>> -> memref<64x128xf32, #tpu.memory_space<hbm>>
      %dma_start3A_247 = arith.constant 0 : i32
      %dma_start3A_248 = tpu.memref_slice %arg7[%add3A_78, %dma_start3A_247] : memref<16384x128xf32, #tpu.memory_space<hbm>> -> memref<64x128xf32, #tpu.memory_space<hbm>>
      tpu.enqueue_dma source(%arg13 : memref<64x128xf32, #tpu.memory_space<vmem>>) target(%dma_start3A_248 : memref<64x128xf32, #tpu.memory_space<hbm>>) target_semaphore(%run_scoped3A : memref<!tpu.dma_semaphore, #tpu.memory_space<semaphore_mem>>)
      %dma_wait3A_249 = arith.constant 0 : i32
      %dma_wait3A_250 = tpu.memref_slice %arg7[%add3A_78, %dma_wait3A_249] : memref<16384x128xf32, #tpu.memory_space<hbm>> -> memref<64x128xf32, #tpu.memory_space<hbm>>
      %dma_wait3A_251 = arith.constant 0 : i32
      %dma_wait3A_252 = tpu.memref_slice %arg7[%add3A_78, %dma_wait3A_251] : memref<16384x128xf32, #tpu.memory_space<hbm>> -> memref<64x128xf32, #tpu.memory_space<hbm>>
      tpu.wait_dma2 semaphore(%run_scoped3A : memref<!tpu.dma_semaphore, #tpu.memory_space<semaphore_mem>>) src(%arg13 : memref<64x128xf32, #tpu.memory_space<vmem>>) dst(%dma_wait3A_252 : memref<64x128xf32, #tpu.memory_space<hbm>>)
      tpu.yield
    }) : () -> ()
    %dma_start3A_79 = arith.constant 3 : i32
    %dma_start3A_80 = arith.constant 0 : i32
    %dma_start3A_81 = tpu.memref_slice %arg8[%dma_start3A_79, %dma_start3A_80] : memref<8x64xi32, #tpu.memory_space<vmem>> -> memref<1x64xi32, #tpu.memory_space<vmem>>
    %dma_start3A_82 = tpu.memref_squeeze %dma_start3A_81 : memref<1x64xi32, #tpu.memory_space<vmem>> -> memref<64xi32, #tpu.memory_space<vmem>>
    %dma_start3A_83 = arith.constant 0 : i32
    %dma_start3A_84 = arith.constant 0 : i32
    %dma_start3A_85 = tpu.memref_slice %arg4[%dma_start3A_83, %dma_start3A_84] : memref<500000x128xf32, #tpu.memory_space<hbm>> -> memref<500000x128xf32, #tpu.memory_space<hbm>>
    tpu.enqueue_indirect_dma source(%dma_start3A_85 : memref<500000x128xf32, #tpu.memory_space<hbm>>) target(%arg11 : memref<64x128xf32, #tpu.memory_space<vmem>>) offsets(%dma_start3A_82 : memref<64xi32, #tpu.memory_space<vmem>>) semaphore(%arg15 : memref<!tpu.dma_semaphore, #tpu.memory_space<semaphore_mem>>)
    %dma_start3A_86 = arith.constant 3 : i32
    %dma_start3A_87 = arith.constant 0 : i32
    %dma_start3A_88 = tpu.memref_slice %arg9[%dma_start3A_86, %dma_start3A_87] : memref<8x64xi32, #tpu.memory_space<vmem>> -> memref<1x64xi32, #tpu.memory_space<vmem>>
    %dma_start3A_89 = tpu.memref_squeeze %dma_start3A_88 : memref<1x64xi32, #tpu.memory_space<vmem>> -> memref<64xi32, #tpu.memory_space<vmem>>
    %dma_start3A_90 = arith.constant 0 : i32
    %dma_start3A_91 = arith.constant 0 : i32
    %dma_start3A_92 = tpu.memref_slice %arg5[%dma_start3A_90, %dma_start3A_91] : memref<50000x128xf32, #tpu.memory_space<hbm>> -> memref<50000x128xf32, #tpu.memory_space<hbm>>
    tpu.enqueue_indirect_dma source(%dma_start3A_92 : memref<50000x128xf32, #tpu.memory_space<hbm>>) target(%arg13 : memref<64x128xf32, #tpu.memory_space<vmem>>) offsets(%dma_start3A_89 : memref<64xi32, #tpu.memory_space<vmem>>) semaphore(%arg17 : memref<!tpu.dma_semaphore, #tpu.memory_space<semaphore_mem>>)
    %dma_wait3A_93 = arith.constant 2 : i32
    %dma_wait3A_94 = arith.constant 0 : i32
    %dma_wait3A_95 = tpu.memref_slice %arg8[%dma_wait3A_93, %dma_wait3A_94] : memref<8x64xi32, #tpu.memory_space<vmem>> -> memref<1x64xi32, #tpu.memory_space<vmem>>
    %dma_wait3A_96 = tpu.memref_squeeze %dma_wait3A_95 : memref<1x64xi32, #tpu.memory_space<vmem>> -> memref<64xi32, #tpu.memory_space<vmem>>
    %dma_wait3A_97 = arith.constant 0 : i32
    %dma_wait3A_98 = arith.constant 0 : i32
    %dma_wait3A_99 = tpu.memref_slice %arg4[%dma_wait3A_97, %dma_wait3A_98] : memref<500000x128xf32, #tpu.memory_space<hbm>> -> memref<500000x128xf32, #tpu.memory_space<hbm>>
    tpu.wait_indirect_dma semaphore(%arg14 : memref<!tpu.dma_semaphore, #tpu.memory_space<semaphore_mem>>) src(%dma_wait3A_99 : memref<500000x128xf32, #tpu.memory_space<hbm>>) dst(%arg10 : memref<64x128xf32, #tpu.memory_space<vmem>>)
    %dma_wait3A_100 = arith.constant 2 : i32
    %dma_wait3A_101 = arith.constant 0 : i32
    %dma_wait3A_102 = tpu.memref_slice %arg9[%dma_wait3A_100, %dma_wait3A_101] : memref<8x64xi32, #tpu.memory_space<vmem>> -> memref<1x64xi32, #tpu.memory_space<vmem>>
    %dma_wait3A_103 = tpu.memref_squeeze %dma_wait3A_102 : memref<1x64xi32, #tpu.memory_space<vmem>> -> memref<64xi32, #tpu.memory_space<vmem>>
    %dma_wait3A_104 = arith.constant 0 : i32
    %dma_wait3A_105 = arith.constant 0 : i32
    %dma_wait3A_106 = tpu.memref_slice %arg5[%dma_wait3A_104, %dma_wait3A_105] : memref<50000x128xf32, #tpu.memory_space<hbm>> -> memref<50000x128xf32, #tpu.memory_space<hbm>>
    tpu.wait_indirect_dma semaphore(%arg16 : memref<!tpu.dma_semaphore, #tpu.memory_space<semaphore_mem>>) src(%dma_wait3A_106 : memref<50000x128xf32, #tpu.memory_space<hbm>>) dst(%arg12 : memref<64x128xf32, #tpu.memory_space<vmem>>)
    %add3A_107 = arith.constant 128 : i32
    %add3A_108 = arith.addi %mul3A_2, %add3A_107 : i32
    "tpu.region"() ({
      %run_scoped3A = tpu.sem_alloc : memref<!tpu.dma_semaphore, #tpu.memory_space<semaphore_mem>>
      %dma_start3A_245 = arith.constant 0 : i32
      %dma_start3A_246 = tpu.memref_slice %arg6[%add3A_108, %dma_start3A_245] : memref<16384x128xf32, #tpu.memory_space<hbm>> -> memref<64x128xf32, #tpu.memory_space<hbm>>
      %dma_start3A_247 = arith.constant 0 : i32
      %dma_start3A_248 = tpu.memref_slice %arg6[%add3A_108, %dma_start3A_247] : memref<16384x128xf32, #tpu.memory_space<hbm>> -> memref<64x128xf32, #tpu.memory_space<hbm>>
      tpu.enqueue_dma source(%arg10 : memref<64x128xf32, #tpu.memory_space<vmem>>) target(%dma_start3A_248 : memref<64x128xf32, #tpu.memory_space<hbm>>) target_semaphore(%run_scoped3A : memref<!tpu.dma_semaphore, #tpu.memory_space<semaphore_mem>>)
      %dma_wait3A_249 = arith.constant 0 : i32
      %dma_wait3A_250 = tpu.memref_slice %arg6[%add3A_108, %dma_wait3A_249] : memref<16384x128xf32, #tpu.memory_space<hbm>> -> memref<64x128xf32, #tpu.memory_space<hbm>>
      %dma_wait3A_251 = arith.constant 0 : i32
      %dma_wait3A_252 = tpu.memref_slice %arg6[%add3A_108, %dma_wait3A_251] : memref<16384x128xf32, #tpu.memory_space<hbm>> -> memref<64x128xf32, #tpu.memory_space<hbm>>
      tpu.wait_dma2 semaphore(%run_scoped3A : memref<!tpu.dma_semaphore, #tpu.memory_space<semaphore_mem>>) src(%arg10 : memref<64x128xf32, #tpu.memory_space<vmem>>) dst(%dma_wait3A_252 : memref<64x128xf32, #tpu.memory_space<hbm>>)
      tpu.yield
    }) : () -> ()
    "tpu.region"() ({
      %run_scoped3A = tpu.sem_alloc : memref<!tpu.dma_semaphore, #tpu.memory_space<semaphore_mem>>
      %dma_start3A_245 = arith.constant 0 : i32
      %dma_start3A_246 = tpu.memref_slice %arg7[%add3A_108, %dma_start3A_245] : memref<16384x128xf32, #tpu.memory_space<hbm>> -> memref<64x128xf32, #tpu.memory_space<hbm>>
      %dma_start3A_247 = arith.constant 0 : i32
      %dma_start3A_248 = tpu.memref_slice %arg7[%add3A_108, %dma_start3A_247] : memref<16384x128xf32, #tpu.memory_space<hbm>> -> memref<64x128xf32, #tpu.memory_space<hbm>>
      tpu.enqueue_dma source(%arg12 : memref<64x128xf32, #tpu.memory_space<vmem>>) target(%dma_start3A_248 : memref<64x128xf32, #tpu.memory_space<hbm>>) target_semaphore(%run_scoped3A : memref<!tpu.dma_semaphore, #tpu.memory_space<semaphore_mem>>)
      %dma_wait3A_249 = arith.constant 0 : i32
      %dma_wait3A_250 = tpu.memref_slice %arg7[%add3A_108, %dma_wait3A_249] : memref<16384x128xf32, #tpu.memory_space<hbm>> -> memref<64x128xf32, #tpu.memory_space<hbm>>
      %dma_wait3A_251 = arith.constant 0 : i32
      %dma_wait3A_252 = tpu.memref_slice %arg7[%add3A_108, %dma_wait3A_251] : memref<16384x128xf32, #tpu.memory_space<hbm>> -> memref<64x128xf32, #tpu.memory_space<hbm>>
      tpu.wait_dma2 semaphore(%run_scoped3A : memref<!tpu.dma_semaphore, #tpu.memory_space<semaphore_mem>>) src(%arg12 : memref<64x128xf32, #tpu.memory_space<vmem>>) dst(%dma_wait3A_252 : memref<64x128xf32, #tpu.memory_space<hbm>>)
      tpu.yield
    }) : () -> ()
    %dma_start3A_109 = arith.constant 4 : i32
    %dma_start3A_110 = arith.constant 0 : i32
    %dma_start3A_111 = tpu.memref_slice %arg8[%dma_start3A_109, %dma_start3A_110] : memref<8x64xi32, #tpu.memory_space<vmem>> -> memref<1x64xi32, #tpu.memory_space<vmem>>
    %dma_start3A_112 = tpu.memref_squeeze %dma_start3A_111 : memref<1x64xi32, #tpu.memory_space<vmem>> -> memref<64xi32, #tpu.memory_space<vmem>>
    %dma_start3A_113 = arith.constant 0 : i32
    %dma_start3A_114 = arith.constant 0 : i32
    %dma_start3A_115 = tpu.memref_slice %arg4[%dma_start3A_113, %dma_start3A_114] : memref<500000x128xf32, #tpu.memory_space<hbm>> -> memref<500000x128xf32, #tpu.memory_space<hbm>>
    tpu.enqueue_indirect_dma source(%dma_start3A_115 : memref<500000x128xf32, #tpu.memory_space<hbm>>) target(%arg10 : memref<64x128xf32, #tpu.memory_space<vmem>>) offsets(%dma_start3A_112 : memref<64xi32, #tpu.memory_space<vmem>>) semaphore(%arg14 : memref<!tpu.dma_semaphore, #tpu.memory_space<semaphore_mem>>)
    %dma_start3A_116 = arith.constant 4 : i32
    %dma_start3A_117 = arith.constant 0 : i32
    %dma_start3A_118 = tpu.memref_slice %arg9[%dma_start3A_116, %dma_start3A_117] : memref<8x64xi32, #tpu.memory_space<vmem>> -> memref<1x64xi32, #tpu.memory_space<vmem>>
    %dma_start3A_119 = tpu.memref_squeeze %dma_start3A_118 : memref<1x64xi32, #tpu.memory_space<vmem>> -> memref<64xi32, #tpu.memory_space<vmem>>
    %dma_start3A_120 = arith.constant 0 : i32
    %dma_start3A_121 = arith.constant 0 : i32
    %dma_start3A_122 = tpu.memref_slice %arg5[%dma_start3A_120, %dma_start3A_121] : memref<50000x128xf32, #tpu.memory_space<hbm>> -> memref<50000x128xf32, #tpu.memory_space<hbm>>
    tpu.enqueue_indirect_dma source(%dma_start3A_122 : memref<50000x128xf32, #tpu.memory_space<hbm>>) target(%arg12 : memref<64x128xf32, #tpu.memory_space<vmem>>) offsets(%dma_start3A_119 : memref<64xi32, #tpu.memory_space<vmem>>) semaphore(%arg16 : memref<!tpu.dma_semaphore, #tpu.memory_space<semaphore_mem>>)
    %dma_wait3A_123 = arith.constant 3 : i32
    %dma_wait3A_124 = arith.constant 0 : i32
    %dma_wait3A_125 = tpu.memref_slice %arg8[%dma_wait3A_123, %dma_wait3A_124] : memref<8x64xi32, #tpu.memory_space<vmem>> -> memref<1x64xi32, #tpu.memory_space<vmem>>
    %dma_wait3A_126 = tpu.memref_squeeze %dma_wait3A_125 : memref<1x64xi32, #tpu.memory_space<vmem>> -> memref<64xi32, #tpu.memory_space<vmem>>
    %dma_wait3A_127 = arith.constant 0 : i32
    %dma_wait3A_128 = arith.constant 0 : i32
    %dma_wait3A_129 = tpu.memref_slice %arg4[%dma_wait3A_127, %dma_wait3A_128] : memref<500000x128xf32, #tpu.memory_space<hbm>> -> memref<500000x128xf32, #tpu.memory_space<hbm>>
    tpu.wait_indirect_dma semaphore(%arg15 : memref<!tpu.dma_semaphore, #tpu.memory_space<semaphore_mem>>) src(%dma_wait3A_129 : memref<500000x128xf32, #tpu.memory_space<hbm>>) dst(%arg11 : memref<64x128xf32, #tpu.memory_space<vmem>>)
    %dma_wait3A_130 = arith.constant 3 : i32
    %dma_wait3A_131 = arith.constant 0 : i32
    %dma_wait3A_132 = tpu.memref_slice %arg9[%dma_wait3A_130, %dma_wait3A_131] : memref<8x64xi32, #tpu.memory_space<vmem>> -> memref<1x64xi32, #tpu.memory_space<vmem>>
    %dma_wait3A_133 = tpu.memref_squeeze %dma_wait3A_132 : memref<1x64xi32, #tpu.memory_space<vmem>> -> memref<64xi32, #tpu.memory_space<vmem>>
    %dma_wait3A_134 = arith.constant 0 : i32
    %dma_wait3A_135 = arith.constant 0 : i32
    %dma_wait3A_136 = tpu.memref_slice %arg5[%dma_wait3A_134, %dma_wait3A_135] : memref<50000x128xf32, #tpu.memory_space<hbm>> -> memref<50000x128xf32, #tpu.memory_space<hbm>>
    tpu.wait_indirect_dma semaphore(%arg17 : memref<!tpu.dma_semaphore, #tpu.memory_space<semaphore_mem>>) src(%dma_wait3A_136 : memref<50000x128xf32, #tpu.memory_space<hbm>>) dst(%arg13 : memref<64x128xf32, #tpu.memory_space<vmem>>)
    %add3A_137 = arith.constant 192 : i32
    %add3A_138 = arith.addi %mul3A_2, %add3A_137 : i32
    "tpu.region"() ({
      %run_scoped3A = tpu.sem_alloc : memref<!tpu.dma_semaphore, #tpu.memory_space<semaphore_mem>>
      %dma_start3A_245 = arith.constant 0 : i32
      %dma_start3A_246 = tpu.memref_slice %arg6[%add3A_138, %dma_start3A_245] : memref<16384x128xf32, #tpu.memory_space<hbm>> -> memref<64x128xf32, #tpu.memory_space<hbm>>
      %dma_start3A_247 = arith.constant 0 : i32
      %dma_start3A_248 = tpu.memref_slice %arg6[%add3A_138, %dma_start3A_247] : memref<16384x128xf32, #tpu.memory_space<hbm>> -> memref<64x128xf32, #tpu.memory_space<hbm>>
      tpu.enqueue_dma source(%arg11 : memref<64x128xf32, #tpu.memory_space<vmem>>) target(%dma_start3A_248 : memref<64x128xf32, #tpu.memory_space<hbm>>) target_semaphore(%run_scoped3A : memref<!tpu.dma_semaphore, #tpu.memory_space<semaphore_mem>>)
      %dma_wait3A_249 = arith.constant 0 : i32
      %dma_wait3A_250 = tpu.memref_slice %arg6[%add3A_138, %dma_wait3A_249] : memref<16384x128xf32, #tpu.memory_space<hbm>> -> memref<64x128xf32, #tpu.memory_space<hbm>>
      %dma_wait3A_251 = arith.constant 0 : i32
      %dma_wait3A_252 = tpu.memref_slice %arg6[%add3A_138, %dma_wait3A_251] : memref<16384x128xf32, #tpu.memory_space<hbm>> -> memref<64x128xf32, #tpu.memory_space<hbm>>
      tpu.wait_dma2 semaphore(%run_scoped3A : memref<!tpu.dma_semaphore, #tpu.memory_space<semaphore_mem>>) src(%arg11 : memref<64x128xf32, #tpu.memory_space<vmem>>) dst(%dma_wait3A_252 : memref<64x128xf32, #tpu.memory_space<hbm>>)
      tpu.yield
    }) : () -> ()
    "tpu.region"() ({
      %run_scoped3A = tpu.sem_alloc : memref<!tpu.dma_semaphore, #tpu.memory_space<semaphore_mem>>
      %dma_start3A_245 = arith.constant 0 : i32
      %dma_start3A_246 = tpu.memref_slice %arg7[%add3A_138, %dma_start3A_245] : memref<16384x128xf32, #tpu.memory_space<hbm>> -> memref<64x128xf32, #tpu.memory_space<hbm>>
      %dma_start3A_247 = arith.constant 0 : i32
      %dma_start3A_248 = tpu.memref_slice %arg7[%add3A_138, %dma_start3A_247] : memref<16384x128xf32, #tpu.memory_space<hbm>> -> memref<64x128xf32, #tpu.memory_space<hbm>>
      tpu.enqueue_dma source(%arg13 : memref<64x128xf32, #tpu.memory_space<vmem>>) target(%dma_start3A_248 : memref<64x128xf32, #tpu.memory_space<hbm>>) target_semaphore(%run_scoped3A : memref<!tpu.dma_semaphore, #tpu.memory_space<semaphore_mem>>)
      %dma_wait3A_249 = arith.constant 0 : i32
      %dma_wait3A_250 = tpu.memref_slice %arg7[%add3A_138, %dma_wait3A_249] : memref<16384x128xf32, #tpu.memory_space<hbm>> -> memref<64x128xf32, #tpu.memory_space<hbm>>
      %dma_wait3A_251 = arith.constant 0 : i32
      %dma_wait3A_252 = tpu.memref_slice %arg7[%add3A_138, %dma_wait3A_251] : memref<16384x128xf32, #tpu.memory_space<hbm>> -> memref<64x128xf32, #tpu.memory_space<hbm>>
      tpu.wait_dma2 semaphore(%run_scoped3A : memref<!tpu.dma_semaphore, #tpu.memory_space<semaphore_mem>>) src(%arg13 : memref<64x128xf32, #tpu.memory_space<vmem>>) dst(%dma_wait3A_252 : memref<64x128xf32, #tpu.memory_space<hbm>>)
      tpu.yield
    }) : () -> ()
    %dma_start3A_139 = arith.constant 5 : i32
    %dma_start3A_140 = arith.constant 0 : i32
    %dma_start3A_141 = tpu.memref_slice %arg8[%dma_start3A_139, %dma_start3A_140] : memref<8x64xi32, #tpu.memory_space<vmem>> -> memref<1x64xi32, #tpu.memory_space<vmem>>
    %dma_start3A_142 = tpu.memref_squeeze %dma_start3A_141 : memref<1x64xi32, #tpu.memory_space<vmem>> -> memref<64xi32, #tpu.memory_space<vmem>>
    %dma_start3A_143 = arith.constant 0 : i32
    %dma_start3A_144 = arith.constant 0 : i32
    %dma_start3A_145 = tpu.memref_slice %arg4[%dma_start3A_143, %dma_start3A_144] : memref<500000x128xf32, #tpu.memory_space<hbm>> -> memref<500000x128xf32, #tpu.memory_space<hbm>>
    tpu.enqueue_indirect_dma source(%dma_start3A_145 : memref<500000x128xf32, #tpu.memory_space<hbm>>) target(%arg11 : memref<64x128xf32, #tpu.memory_space<vmem>>) offsets(%dma_start3A_142 : memref<64xi32, #tpu.memory_space<vmem>>) semaphore(%arg15 : memref<!tpu.dma_semaphore, #tpu.memory_space<semaphore_mem>>)
    %dma_start3A_146 = arith.constant 5 : i32
    %dma_start3A_147 = arith.constant 0 : i32
    %dma_start3A_148 = tpu.memref_slice %arg9[%dma_start3A_146, %dma_start3A_147] : memref<8x64xi32, #tpu.memory_space<vmem>> -> memref<1x64xi32, #tpu.memory_space<vmem>>
    %dma_start3A_149 = tpu.memref_squeeze %dma_start3A_148 : memref<1x64xi32, #tpu.memory_space<vmem>> -> memref<64xi32, #tpu.memory_space<vmem>>
    %dma_start3A_150 = arith.constant 0 : i32
    %dma_start3A_151 = arith.constant 0 : i32
    %dma_start3A_152 = tpu.memref_slice %arg5[%dma_start3A_150, %dma_start3A_151] : memref<50000x128xf32, #tpu.memory_space<hbm>> -> memref<50000x128xf32, #tpu.memory_space<hbm>>
    tpu.enqueue_indirect_dma source(%dma_start3A_152 : memref<50000x128xf32, #tpu.memory_space<hbm>>) target(%arg13 : memref<64x128xf32, #tpu.memory_space<vmem>>) offsets(%dma_start3A_149 : memref<64xi32, #tpu.memory_space<vmem>>) semaphore(%arg17 : memref<!tpu.dma_semaphore, #tpu.memory_space<semaphore_mem>>)
    %dma_wait3A_153 = arith.constant 4 : i32
    %dma_wait3A_154 = arith.constant 0 : i32
    %dma_wait3A_155 = tpu.memref_slice %arg8[%dma_wait3A_153, %dma_wait3A_154] : memref<8x64xi32, #tpu.memory_space<vmem>> -> memref<1x64xi32, #tpu.memory_space<vmem>>
    %dma_wait3A_156 = tpu.memref_squeeze %dma_wait3A_155 : memref<1x64xi32, #tpu.memory_space<vmem>> -> memref<64xi32, #tpu.memory_space<vmem>>
    %dma_wait3A_157 = arith.constant 0 : i32
    %dma_wait3A_158 = arith.constant 0 : i32
    %dma_wait3A_159 = tpu.memref_slice %arg4[%dma_wait3A_157, %dma_wait3A_158] : memref<500000x128xf32, #tpu.memory_space<hbm>> -> memref<500000x128xf32, #tpu.memory_space<hbm>>
    tpu.wait_indirect_dma semaphore(%arg14 : memref<!tpu.dma_semaphore, #tpu.memory_space<semaphore_mem>>) src(%dma_wait3A_159 : memref<500000x128xf32, #tpu.memory_space<hbm>>) dst(%arg10 : memref<64x128xf32, #tpu.memory_space<vmem>>)
    %dma_wait3A_160 = arith.constant 4 : i32
    %dma_wait3A_161 = arith.constant 0 : i32
    %dma_wait3A_162 = tpu.memref_slice %arg9[%dma_wait3A_160, %dma_wait3A_161] : memref<8x64xi32, #tpu.memory_space<vmem>> -> memref<1x64xi32, #tpu.memory_space<vmem>>
    %dma_wait3A_163 = tpu.memref_squeeze %dma_wait3A_162 : memref<1x64xi32, #tpu.memory_space<vmem>> -> memref<64xi32, #tpu.memory_space<vmem>>
    %dma_wait3A_164 = arith.constant 0 : i32
    %dma_wait3A_165 = arith.constant 0 : i32
    %dma_wait3A_166 = tpu.memref_slice %arg5[%dma_wait3A_164, %dma_wait3A_165] : memref<50000x128xf32, #tpu.memory_space<hbm>> -> memref<50000x128xf32, #tpu.memory_space<hbm>>
    tpu.wait_indirect_dma semaphore(%arg16 : memref<!tpu.dma_semaphore, #tpu.memory_space<semaphore_mem>>) src(%dma_wait3A_166 : memref<50000x128xf32, #tpu.memory_space<hbm>>) dst(%arg12 : memref<64x128xf32, #tpu.memory_space<vmem>>)
    %add3A_167 = arith.constant 256 : i32
    %add3A_168 = arith.addi %mul3A_2, %add3A_167 : i32
    "tpu.region"() ({
      %run_scoped3A = tpu.sem_alloc : memref<!tpu.dma_semaphore, #tpu.memory_space<semaphore_mem>>
      %dma_start3A_245 = arith.constant 0 : i32
      %dma_start3A_246 = tpu.memref_slice %arg6[%add3A_168, %dma_start3A_245] : memref<16384x128xf32, #tpu.memory_space<hbm>> -> memref<64x128xf32, #tpu.memory_space<hbm>>
      %dma_start3A_247 = arith.constant 0 : i32
      %dma_start3A_248 = tpu.memref_slice %arg6[%add3A_168, %dma_start3A_247] : memref<16384x128xf32, #tpu.memory_space<hbm>> -> memref<64x128xf32, #tpu.memory_space<hbm>>
      tpu.enqueue_dma source(%arg10 : memref<64x128xf32, #tpu.memory_space<vmem>>) target(%dma_start3A_248 : memref<64x128xf32, #tpu.memory_space<hbm>>) target_semaphore(%run_scoped3A : memref<!tpu.dma_semaphore, #tpu.memory_space<semaphore_mem>>)
      %dma_wait3A_249 = arith.constant 0 : i32
      %dma_wait3A_250 = tpu.memref_slice %arg6[%add3A_168, %dma_wait3A_249] : memref<16384x128xf32, #tpu.memory_space<hbm>> -> memref<64x128xf32, #tpu.memory_space<hbm>>
      %dma_wait3A_251 = arith.constant 0 : i32
      %dma_wait3A_252 = tpu.memref_slice %arg6[%add3A_168, %dma_wait3A_251] : memref<16384x128xf32, #tpu.memory_space<hbm>> -> memref<64x128xf32, #tpu.memory_space<hbm>>
      tpu.wait_dma2 semaphore(%run_scoped3A : memref<!tpu.dma_semaphore, #tpu.memory_space<semaphore_mem>>) src(%arg10 : memref<64x128xf32, #tpu.memory_space<vmem>>) dst(%dma_wait3A_252 : memref<64x128xf32, #tpu.memory_space<hbm>>)
      tpu.yield
    }) : () -> ()
    "tpu.region"() ({
      %run_scoped3A = tpu.sem_alloc : memref<!tpu.dma_semaphore, #tpu.memory_space<semaphore_mem>>
      %dma_start3A_245 = arith.constant 0 : i32
      %dma_start3A_246 = tpu.memref_slice %arg7[%add3A_168, %dma_start3A_245] : memref<16384x128xf32, #tpu.memory_space<hbm>> -> memref<64x128xf32, #tpu.memory_space<hbm>>
      %dma_start3A_247 = arith.constant 0 : i32
      %dma_start3A_248 = tpu.memref_slice %arg7[%add3A_168, %dma_start3A_247] : memref<16384x128xf32, #tpu.memory_space<hbm>> -> memref<64x128xf32, #tpu.memory_space<hbm>>
      tpu.enqueue_dma source(%arg12 : memref<64x128xf32, #tpu.memory_space<vmem>>) target(%dma_start3A_248 : memref<64x128xf32, #tpu.memory_space<hbm>>) target_semaphore(%run_scoped3A : memref<!tpu.dma_semaphore, #tpu.memory_space<semaphore_mem>>)
      %dma_wait3A_249 = arith.constant 0 : i32
      %dma_wait3A_250 = tpu.memref_slice %arg7[%add3A_168, %dma_wait3A_249] : memref<16384x128xf32, #tpu.memory_space<hbm>> -> memref<64x128xf32, #tpu.memory_space<hbm>>
      %dma_wait3A_251 = arith.constant 0 : i32
      %dma_wait3A_252 = tpu.memref_slice %arg7[%add3A_168, %dma_wait3A_251] : memref<16384x128xf32, #tpu.memory_space<hbm>> -> memref<64x128xf32, #tpu.memory_space<hbm>>
      tpu.wait_dma2 semaphore(%run_scoped3A : memref<!tpu.dma_semaphore, #tpu.memory_space<semaphore_mem>>) src(%arg12 : memref<64x128xf32, #tpu.memory_space<vmem>>) dst(%dma_wait3A_252 : memref<64x128xf32, #tpu.memory_space<hbm>>)
      tpu.yield
    }) : () -> ()
    %dma_start3A_169 = arith.constant 6 : i32
    %dma_start3A_170 = arith.constant 0 : i32
    %dma_start3A_171 = tpu.memref_slice %arg8[%dma_start3A_169, %dma_start3A_170] : memref<8x64xi32, #tpu.memory_space<vmem>> -> memref<1x64xi32, #tpu.memory_space<vmem>>
    %dma_start3A_172 = tpu.memref_squeeze %dma_start3A_171 : memref<1x64xi32, #tpu.memory_space<vmem>> -> memref<64xi32, #tpu.memory_space<vmem>>
    %dma_start3A_173 = arith.constant 0 : i32
    %dma_start3A_174 = arith.constant 0 : i32
    %dma_start3A_175 = tpu.memref_slice %arg4[%dma_start3A_173, %dma_start3A_174] : memref<500000x128xf32, #tpu.memory_space<hbm>> -> memref<500000x128xf32, #tpu.memory_space<hbm>>
    tpu.enqueue_indirect_dma source(%dma_start3A_175 : memref<500000x128xf32, #tpu.memory_space<hbm>>) target(%arg10 : memref<64x128xf32, #tpu.memory_space<vmem>>) offsets(%dma_start3A_172 : memref<64xi32, #tpu.memory_space<vmem>>) semaphore(%arg14 : memref<!tpu.dma_semaphore, #tpu.memory_space<semaphore_mem>>)
    %dma_start3A_176 = arith.constant 6 : i32
    %dma_start3A_177 = arith.constant 0 : i32
    %dma_start3A_178 = tpu.memref_slice %arg9[%dma_start3A_176, %dma_start3A_177] : memref<8x64xi32, #tpu.memory_space<vmem>> -> memref<1x64xi32, #tpu.memory_space<vmem>>
    %dma_start3A_179 = tpu.memref_squeeze %dma_start3A_178 : memref<1x64xi32, #tpu.memory_space<vmem>> -> memref<64xi32, #tpu.memory_space<vmem>>
    %dma_start3A_180 = arith.constant 0 : i32
    %dma_start3A_181 = arith.constant 0 : i32
    %dma_start3A_182 = tpu.memref_slice %arg5[%dma_start3A_180, %dma_start3A_181] : memref<50000x128xf32, #tpu.memory_space<hbm>> -> memref<50000x128xf32, #tpu.memory_space<hbm>>
    tpu.enqueue_indirect_dma source(%dma_start3A_182 : memref<50000x128xf32, #tpu.memory_space<hbm>>) target(%arg12 : memref<64x128xf32, #tpu.memory_space<vmem>>) offsets(%dma_start3A_179 : memref<64xi32, #tpu.memory_space<vmem>>) semaphore(%arg16 : memref<!tpu.dma_semaphore, #tpu.memory_space<semaphore_mem>>)
    %dma_wait3A_183 = arith.constant 5 : i32
    %dma_wait3A_184 = arith.constant 0 : i32
    %dma_wait3A_185 = tpu.memref_slice %arg8[%dma_wait3A_183, %dma_wait3A_184] : memref<8x64xi32, #tpu.memory_space<vmem>> -> memref<1x64xi32, #tpu.memory_space<vmem>>
    %dma_wait3A_186 = tpu.memref_squeeze %dma_wait3A_185 : memref<1x64xi32, #tpu.memory_space<vmem>> -> memref<64xi32, #tpu.memory_space<vmem>>
    %dma_wait3A_187 = arith.constant 0 : i32
    %dma_wait3A_188 = arith.constant 0 : i32
    %dma_wait3A_189 = tpu.memref_slice %arg4[%dma_wait3A_187, %dma_wait3A_188] : memref<500000x128xf32, #tpu.memory_space<hbm>> -> memref<500000x128xf32, #tpu.memory_space<hbm>>
    tpu.wait_indirect_dma semaphore(%arg15 : memref<!tpu.dma_semaphore, #tpu.memory_space<semaphore_mem>>) src(%dma_wait3A_189 : memref<500000x128xf32, #tpu.memory_space<hbm>>) dst(%arg11 : memref<64x128xf32, #tpu.memory_space<vmem>>)
    %dma_wait3A_190 = arith.constant 5 : i32
    %dma_wait3A_191 = arith.constant 0 : i32
    %dma_wait3A_192 = tpu.memref_slice %arg9[%dma_wait3A_190, %dma_wait3A_191] : memref<8x64xi32, #tpu.memory_space<vmem>> -> memref<1x64xi32, #tpu.memory_space<vmem>>
    %dma_wait3A_193 = tpu.memref_squeeze %dma_wait3A_192 : memref<1x64xi32, #tpu.memory_space<vmem>> -> memref<64xi32, #tpu.memory_space<vmem>>
    %dma_wait3A_194 = arith.constant 0 : i32
    %dma_wait3A_195 = arith.constant 0 : i32
    %dma_wait3A_196 = tpu.memref_slice %arg5[%dma_wait3A_194, %dma_wait3A_195] : memref<50000x128xf32, #tpu.memory_space<hbm>> -> memref<50000x128xf32, #tpu.memory_space<hbm>>
    tpu.wait_indirect_dma semaphore(%arg17 : memref<!tpu.dma_semaphore, #tpu.memory_space<semaphore_mem>>) src(%dma_wait3A_196 : memref<50000x128xf32, #tpu.memory_space<hbm>>) dst(%arg13 : memref<64x128xf32, #tpu.memory_space<vmem>>)
    %add3A_197 = arith.constant 320 : i32
    %add3A_198 = arith.addi %mul3A_2, %add3A_197 : i32
    "tpu.region"() ({
      %run_scoped3A = tpu.sem_alloc : memref<!tpu.dma_semaphore, #tpu.memory_space<semaphore_mem>>
      %dma_start3A_245 = arith.constant 0 : i32
      %dma_start3A_246 = tpu.memref_slice %arg6[%add3A_198, %dma_start3A_245] : memref<16384x128xf32, #tpu.memory_space<hbm>> -> memref<64x128xf32, #tpu.memory_space<hbm>>
      %dma_start3A_247 = arith.constant 0 : i32
      %dma_start3A_248 = tpu.memref_slice %arg6[%add3A_198, %dma_start3A_247] : memref<16384x128xf32, #tpu.memory_space<hbm>> -> memref<64x128xf32, #tpu.memory_space<hbm>>
      tpu.enqueue_dma source(%arg11 : memref<64x128xf32, #tpu.memory_space<vmem>>) target(%dma_start3A_248 : memref<64x128xf32, #tpu.memory_space<hbm>>) target_semaphore(%run_scoped3A : memref<!tpu.dma_semaphore, #tpu.memory_space<semaphore_mem>>)
      %dma_wait3A_249 = arith.constant 0 : i32
      %dma_wait3A_250 = tpu.memref_slice %arg6[%add3A_198, %dma_wait3A_249] : memref<16384x128xf32, #tpu.memory_space<hbm>> -> memref<64x128xf32, #tpu.memory_space<hbm>>
      %dma_wait3A_251 = arith.constant 0 : i32
      %dma_wait3A_252 = tpu.memref_slice %arg6[%add3A_198, %dma_wait3A_251] : memref<16384x128xf32, #tpu.memory_space<hbm>> -> memref<64x128xf32, #tpu.memory_space<hbm>>
      tpu.wait_dma2 semaphore(%run_scoped3A : memref<!tpu.dma_semaphore, #tpu.memory_space<semaphore_mem>>) src(%arg11 : memref<64x128xf32, #tpu.memory_space<vmem>>) dst(%dma_wait3A_252 : memref<64x128xf32, #tpu.memory_space<hbm>>)
      tpu.yield
    }) : () -> ()
    "tpu.region"() ({
      %run_scoped3A = tpu.sem_alloc : memref<!tpu.dma_semaphore, #tpu.memory_space<semaphore_mem>>
      %dma_start3A_245 = arith.constant 0 : i32
      %dma_start3A_246 = tpu.memref_slice %arg7[%add3A_198, %dma_start3A_245] : memref<16384x128xf32, #tpu.memory_space<hbm>> -> memref<64x128xf32, #tpu.memory_space<hbm>>
      %dma_start3A_247 = arith.constant 0 : i32
      %dma_start3A_248 = tpu.memref_slice %arg7[%add3A_198, %dma_start3A_247] : memref<16384x128xf32, #tpu.memory_space<hbm>> -> memref<64x128xf32, #tpu.memory_space<hbm>>
      tpu.enqueue_dma source(%arg13 : memref<64x128xf32, #tpu.memory_space<vmem>>) target(%dma_start3A_248 : memref<64x128xf32, #tpu.memory_space<hbm>>) target_semaphore(%run_scoped3A : memref<!tpu.dma_semaphore, #tpu.memory_space<semaphore_mem>>)
      %dma_wait3A_249 = arith.constant 0 : i32
      %dma_wait3A_250 = tpu.memref_slice %arg7[%add3A_198, %dma_wait3A_249] : memref<16384x128xf32, #tpu.memory_space<hbm>> -> memref<64x128xf32, #tpu.memory_space<hbm>>
      %dma_wait3A_251 = arith.constant 0 : i32
      %dma_wait3A_252 = tpu.memref_slice %arg7[%add3A_198, %dma_wait3A_251] : memref<16384x128xf32, #tpu.memory_space<hbm>> -> memref<64x128xf32, #tpu.memory_space<hbm>>
      tpu.wait_dma2 semaphore(%run_scoped3A : memref<!tpu.dma_semaphore, #tpu.memory_space<semaphore_mem>>) src(%arg13 : memref<64x128xf32, #tpu.memory_space<vmem>>) dst(%dma_wait3A_252 : memref<64x128xf32, #tpu.memory_space<hbm>>)
      tpu.yield
    }) : () -> ()
    %dma_start3A_199 = arith.constant 7 : i32
    %dma_start3A_200 = arith.constant 0 : i32
    %dma_start3A_201 = tpu.memref_slice %arg8[%dma_start3A_199, %dma_start3A_200] : memref<8x64xi32, #tpu.memory_space<vmem>> -> memref<1x64xi32, #tpu.memory_space<vmem>>
    %dma_start3A_202 = tpu.memref_squeeze %dma_start3A_201 : memref<1x64xi32, #tpu.memory_space<vmem>> -> memref<64xi32, #tpu.memory_space<vmem>>
    %dma_start3A_203 = arith.constant 0 : i32
    %dma_start3A_204 = arith.constant 0 : i32
    %dma_start3A_205 = tpu.memref_slice %arg4[%dma_start3A_203, %dma_start3A_204] : memref<500000x128xf32, #tpu.memory_space<hbm>> -> memref<500000x128xf32, #tpu.memory_space<hbm>>
    tpu.enqueue_indirect_dma source(%dma_start3A_205 : memref<500000x128xf32, #tpu.memory_space<hbm>>) target(%arg11 : memref<64x128xf32, #tpu.memory_space<vmem>>) offsets(%dma_start3A_202 : memref<64xi32, #tpu.memory_space<vmem>>) semaphore(%arg15 : memref<!tpu.dma_semaphore, #tpu.memory_space<semaphore_mem>>)
    %dma_start3A_206 = arith.constant 7 : i32
    %dma_start3A_207 = arith.constant 0 : i32
    %dma_start3A_208 = tpu.memref_slice %arg9[%dma_start3A_206, %dma_start3A_207] : memref<8x64xi32, #tpu.memory_space<vmem>> -> memref<1x64xi32, #tpu.memory_space<vmem>>
    %dma_start3A_209 = tpu.memref_squeeze %dma_start3A_208 : memref<1x64xi32, #tpu.memory_space<vmem>> -> memref<64xi32, #tpu.memory_space<vmem>>
    %dma_start3A_210 = arith.constant 0 : i32
    %dma_start3A_211 = arith.constant 0 : i32
    %dma_start3A_212 = tpu.memref_slice %arg5[%dma_start3A_210, %dma_start3A_211] : memref<50000x128xf32, #tpu.memory_space<hbm>> -> memref<50000x128xf32, #tpu.memory_space<hbm>>
    tpu.enqueue_indirect_dma source(%dma_start3A_212 : memref<50000x128xf32, #tpu.memory_space<hbm>>) target(%arg13 : memref<64x128xf32, #tpu.memory_space<vmem>>) offsets(%dma_start3A_209 : memref<64xi32, #tpu.memory_space<vmem>>) semaphore(%arg17 : memref<!tpu.dma_semaphore, #tpu.memory_space<semaphore_mem>>)
    %dma_wait3A_213 = arith.constant 6 : i32
    %dma_wait3A_214 = arith.constant 0 : i32
    %dma_wait3A_215 = tpu.memref_slice %arg8[%dma_wait3A_213, %dma_wait3A_214] : memref<8x64xi32, #tpu.memory_space<vmem>> -> memref<1x64xi32, #tpu.memory_space<vmem>>
    %dma_wait3A_216 = tpu.memref_squeeze %dma_wait3A_215 : memref<1x64xi32, #tpu.memory_space<vmem>> -> memref<64xi32, #tpu.memory_space<vmem>>
    %dma_wait3A_217 = arith.constant 0 : i32
    %dma_wait3A_218 = arith.constant 0 : i32
    %dma_wait3A_219 = tpu.memref_slice %arg4[%dma_wait3A_217, %dma_wait3A_218] : memref<500000x128xf32, #tpu.memory_space<hbm>> -> memref<500000x128xf32, #tpu.memory_space<hbm>>
    tpu.wait_indirect_dma semaphore(%arg14 : memref<!tpu.dma_semaphore, #tpu.memory_space<semaphore_mem>>) src(%dma_wait3A_219 : memref<500000x128xf32, #tpu.memory_space<hbm>>) dst(%arg10 : memref<64x128xf32, #tpu.memory_space<vmem>>)
    %dma_wait3A_220 = arith.constant 6 : i32
    %dma_wait3A_221 = arith.constant 0 : i32
    %dma_wait3A_222 = tpu.memref_slice %arg9[%dma_wait3A_220, %dma_wait3A_221] : memref<8x64xi32, #tpu.memory_space<vmem>> -> memref<1x64xi32, #tpu.memory_space<vmem>>
    %dma_wait3A_223 = tpu.memref_squeeze %dma_wait3A_222 : memref<1x64xi32, #tpu.memory_space<vmem>> -> memref<64xi32, #tpu.memory_space<vmem>>
    %dma_wait3A_224 = arith.constant 0 : i32
    %dma_wait3A_225 = arith.constant 0 : i32
    %dma_wait3A_226 = tpu.memref_slice %arg5[%dma_wait3A_224, %dma_wait3A_225] : memref<50000x128xf32, #tpu.memory_space<hbm>> -> memref<50000x128xf32, #tpu.memory_space<hbm>>
    tpu.wait_indirect_dma semaphore(%arg16 : memref<!tpu.dma_semaphore, #tpu.memory_space<semaphore_mem>>) src(%dma_wait3A_226 : memref<50000x128xf32, #tpu.memory_space<hbm>>) dst(%arg12 : memref<64x128xf32, #tpu.memory_space<vmem>>)
    %add3A_227 = arith.constant 384 : i32
    %add3A_228 = arith.addi %mul3A_2, %add3A_227 : i32
    "tpu.region"() ({
      %run_scoped3A = tpu.sem_alloc : memref<!tpu.dma_semaphore, #tpu.memory_space<semaphore_mem>>
      %dma_start3A_245 = arith.constant 0 : i32
      %dma_start3A_246 = tpu.memref_slice %arg6[%add3A_228, %dma_start3A_245] : memref<16384x128xf32, #tpu.memory_space<hbm>> -> memref<64x128xf32, #tpu.memory_space<hbm>>
      %dma_start3A_247 = arith.constant 0 : i32
      %dma_start3A_248 = tpu.memref_slice %arg6[%add3A_228, %dma_start3A_247] : memref<16384x128xf32, #tpu.memory_space<hbm>> -> memref<64x128xf32, #tpu.memory_space<hbm>>
      tpu.enqueue_dma source(%arg10 : memref<64x128xf32, #tpu.memory_space<vmem>>) target(%dma_start3A_248 : memref<64x128xf32, #tpu.memory_space<hbm>>) target_semaphore(%run_scoped3A : memref<!tpu.dma_semaphore, #tpu.memory_space<semaphore_mem>>)
      %dma_wait3A_249 = arith.constant 0 : i32
      %dma_wait3A_250 = tpu.memref_slice %arg6[%add3A_228, %dma_wait3A_249] : memref<16384x128xf32, #tpu.memory_space<hbm>> -> memref<64x128xf32, #tpu.memory_space<hbm>>
      %dma_wait3A_251 = arith.constant 0 : i32
      %dma_wait3A_252 = tpu.memref_slice %arg6[%add3A_228, %dma_wait3A_251] : memref<16384x128xf32, #tpu.memory_space<hbm>> -> memref<64x128xf32, #tpu.memory_space<hbm>>
      tpu.wait_dma2 semaphore(%run_scoped3A : memref<!tpu.dma_semaphore, #tpu.memory_space<semaphore_mem>>) src(%arg10 : memref<64x128xf32, #tpu.memory_space<vmem>>) dst(%dma_wait3A_252 : memref<64x128xf32, #tpu.memory_space<hbm>>)
      tpu.yield
    }) : () -> ()
    "tpu.region"() ({
      %run_scoped3A = tpu.sem_alloc : memref<!tpu.dma_semaphore, #tpu.memory_space<semaphore_mem>>
      %dma_start3A_245 = arith.constant 0 : i32
      %dma_start3A_246 = tpu.memref_slice %arg7[%add3A_228, %dma_start3A_245] : memref<16384x128xf32, #tpu.memory_space<hbm>> -> memref<64x128xf32, #tpu.memory_space<hbm>>
      %dma_start3A_247 = arith.constant 0 : i32
      %dma_start3A_248 = tpu.memref_slice %arg7[%add3A_228, %dma_start3A_247] : memref<16384x128xf32, #tpu.memory_space<hbm>> -> memref<64x128xf32, #tpu.memory_space<hbm>>
      tpu.enqueue_dma source(%arg12 : memref<64x128xf32, #tpu.memory_space<vmem>>) target(%dma_start3A_248 : memref<64x128xf32, #tpu.memory_space<hbm>>) target_semaphore(%run_scoped3A : memref<!tpu.dma_semaphore, #tpu.memory_space<semaphore_mem>>)
      %dma_wait3A_249 = arith.constant 0 : i32
      %dma_wait3A_250 = tpu.memref_slice %arg7[%add3A_228, %dma_wait3A_249] : memref<16384x128xf32, #tpu.memory_space<hbm>> -> memref<64x128xf32, #tpu.memory_space<hbm>>
      %dma_wait3A_251 = arith.constant 0 : i32
      %dma_wait3A_252 = tpu.memref_slice %arg7[%add3A_228, %dma_wait3A_251] : memref<16384x128xf32, #tpu.memory_space<hbm>> -> memref<64x128xf32, #tpu.memory_space<hbm>>
      tpu.wait_dma2 semaphore(%run_scoped3A : memref<!tpu.dma_semaphore, #tpu.memory_space<semaphore_mem>>) src(%arg12 : memref<64x128xf32, #tpu.memory_space<vmem>>) dst(%dma_wait3A_252 : memref<64x128xf32, #tpu.memory_space<hbm>>)
      tpu.yield
    }) : () -> ()
    %dma_wait3A_229 = arith.constant 7 : i32
    %dma_wait3A_230 = arith.constant 0 : i32
    %dma_wait3A_231 = tpu.memref_slice %arg8[%dma_wait3A_229, %dma_wait3A_230] : memref<8x64xi32, #tpu.memory_space<vmem>> -> memref<1x64xi32, #tpu.memory_space<vmem>>
    %dma_wait3A_232 = tpu.memref_squeeze %dma_wait3A_231 : memref<1x64xi32, #tpu.memory_space<vmem>> -> memref<64xi32, #tpu.memory_space<vmem>>
    %dma_wait3A_233 = arith.constant 0 : i32
    %dma_wait3A_234 = arith.constant 0 : i32
    %dma_wait3A_235 = tpu.memref_slice %arg4[%dma_wait3A_233, %dma_wait3A_234] : memref<500000x128xf32, #tpu.memory_space<hbm>> -> memref<500000x128xf32, #tpu.memory_space<hbm>>
    tpu.wait_indirect_dma semaphore(%arg15 : memref<!tpu.dma_semaphore, #tpu.memory_space<semaphore_mem>>) src(%dma_wait3A_235 : memref<500000x128xf32, #tpu.memory_space<hbm>>) dst(%arg11 : memref<64x128xf32, #tpu.memory_space<vmem>>)
    %dma_wait3A_236 = arith.constant 7 : i32
    %dma_wait3A_237 = arith.constant 0 : i32
    %dma_wait3A_238 = tpu.memref_slice %arg9[%dma_wait3A_236, %dma_wait3A_237] : memref<8x64xi32, #tpu.memory_space<vmem>> -> memref<1x64xi32, #tpu.memory_space<vmem>>
    %dma_wait3A_239 = tpu.memref_squeeze %dma_wait3A_238 : memref<1x64xi32, #tpu.memory_space<vmem>> -> memref<64xi32, #tpu.memory_space<vmem>>
    %dma_wait3A_240 = arith.constant 0 : i32
    %dma_wait3A_241 = arith.constant 0 : i32
    %dma_wait3A_242 = tpu.memref_slice %arg5[%dma_wait3A_240, %dma_wait3A_241] : memref<50000x128xf32, #tpu.memory_space<hbm>> -> memref<50000x128xf32, #tpu.memory_space<hbm>>
    tpu.wait_indirect_dma semaphore(%arg17 : memref<!tpu.dma_semaphore, #tpu.memory_space<semaphore_mem>>) src(%dma_wait3A_242 : memref<50000x128xf32, #tpu.memory_space<hbm>>) dst(%arg13 : memref<64x128xf32, #tpu.memory_space<vmem>>)
    %add3A_243 = arith.constant 448 : i32
    %add3A_244 = arith.addi %mul3A_2, %add3A_243 : i32
    "tpu.region"() ({
      %run_scoped3A = tpu.sem_alloc : memref<!tpu.dma_semaphore, #tpu.memory_space<semaphore_mem>>
      %dma_start3A_245 = arith.constant 0 : i32
      %dma_start3A_246 = tpu.memref_slice %arg6[%add3A_244, %dma_start3A_245] : memref<16384x128xf32, #tpu.memory_space<hbm>> -> memref<64x128xf32, #tpu.memory_space<hbm>>
      %dma_start3A_247 = arith.constant 0 : i32
      %dma_start3A_248 = tpu.memref_slice %arg6[%add3A_244, %dma_start3A_247] : memref<16384x128xf32, #tpu.memory_space<hbm>> -> memref<64x128xf32, #tpu.memory_space<hbm>>
      tpu.enqueue_dma source(%arg11 : memref<64x128xf32, #tpu.memory_space<vmem>>) target(%dma_start3A_248 : memref<64x128xf32, #tpu.memory_space<hbm>>) target_semaphore(%run_scoped3A : memref<!tpu.dma_semaphore, #tpu.memory_space<semaphore_mem>>)
      %dma_wait3A_249 = arith.constant 0 : i32
      %dma_wait3A_250 = tpu.memref_slice %arg6[%add3A_244, %dma_wait3A_249] : memref<16384x128xf32, #tpu.memory_space<hbm>> -> memref<64x128xf32, #tpu.memory_space<hbm>>
      %dma_wait3A_251 = arith.constant 0 : i32
      %dma_wait3A_252 = tpu.memref_slice %arg6[%add3A_244, %dma_wait3A_251] : memref<16384x128xf32, #tpu.memory_space<hbm>> -> memref<64x128xf32, #tpu.memory_space<hbm>>
      tpu.wait_dma2 semaphore(%run_scoped3A : memref<!tpu.dma_semaphore, #tpu.memory_space<semaphore_mem>>) src(%arg11 : memref<64x128xf32, #tpu.memory_space<vmem>>) dst(%dma_wait3A_252 : memref<64x128xf32, #tpu.memory_space<hbm>>)
      tpu.yield
    }) : () -> ()
    "tpu.region"() ({
      %run_scoped3A = tpu.sem_alloc : memref<!tpu.dma_semaphore, #tpu.memory_space<semaphore_mem>>
      %dma_start3A_245 = arith.constant 0 : i32
      %dma_start3A_246 = tpu.memref_slice %arg7[%add3A_244, %dma_start3A_245] : memref<16384x128xf32, #tpu.memory_space<hbm>> -> memref<64x128xf32, #tpu.memory_space<hbm>>
      %dma_start3A_247 = arith.constant 0 : i32
      %dma_start3A_248 = tpu.memref_slice %arg7[%add3A_244, %dma_start3A_247] : memref<16384x128xf32, #tpu.memory_space<hbm>> -> memref<64x128xf32, #tpu.memory_space<hbm>>
      tpu.enqueue_dma source(%arg13 : memref<64x128xf32, #tpu.memory_space<vmem>>) target(%dma_start3A_248 : memref<64x128xf32, #tpu.memory_space<hbm>>) target_semaphore(%run_scoped3A : memref<!tpu.dma_semaphore, #tpu.memory_space<semaphore_mem>>)
      %dma_wait3A_249 = arith.constant 0 : i32
      %dma_wait3A_250 = tpu.memref_slice %arg7[%add3A_244, %dma_wait3A_249] : memref<16384x128xf32, #tpu.memory_space<hbm>> -> memref<64x128xf32, #tpu.memory_space<hbm>>
      %dma_wait3A_251 = arith.constant 0 : i32
      %dma_wait3A_252 = tpu.memref_slice %arg7[%add3A_244, %dma_wait3A_251] : memref<16384x128xf32, #tpu.memory_space<hbm>> -> memref<64x128xf32, #tpu.memory_space<hbm>>
      tpu.wait_dma2 semaphore(%run_scoped3A : memref<!tpu.dma_semaphore, #tpu.memory_space<semaphore_mem>>) src(%arg13 : memref<64x128xf32, #tpu.memory_space<vmem>>) dst(%dma_wait3A_252 : memref<64x128xf32, #tpu.memory_space<hbm>>)
      tpu.yield
    }) : () -> ()
    return
  }
}

module attributes {stable_mosaic.version = 14 : i64} {
  func.func @_project_body(%arg0: i32, %arg1: memref<64x32768xf32, #tpu.memory_space<vmem>>, %arg2: memref<64x128xf32, #tpu.memory_space<vmem>>, %arg3: memref<16384x128xf32, #tpu.memory_space<vmem>>) attributes {dimension_semantics = [#tpu.dimension_semantics<parallel>], iteration_bounds = array<i64: 31>, scalar_prefetch = 0 : i64, scratch_operands = 0 : i64, tpu.core_type = #tpu.core_type<tc>, window_params = [{transform_indices = @transform_0, window_bounds = array<i64: 64, 32768>}, {pipeline_mode = #tpu.pipeline_mode<synchronous>, transform_indices = @transform_1, window_bounds = array<i64: 64, 128>}, {transform_indices = @transform_2, window_bounds = array<i64: 16384, 128>}]} {
    %get3A = arith.constant 0 : index
    %get3A_0 = arith.constant 0 : index
    %get3A_1 = vector.load %arg1[%get3A, %get3A_0] : memref<64x32768xf32, #tpu.memory_space<vmem>>, vector<64x32768xf32>
    %convert_element_type3A = arith.truncf %get3A_1 : vector<64x32768xf32> to vector<64x32768xbf16>
    %get3A_2 = arith.constant 0 : index
    %get3A_3 = arith.constant 0 : index
    %get3A_4 = vector.load %arg2[%get3A_2, %get3A_3] : memref<64x128xf32, #tpu.memory_space<vmem>>, vector<64x128xf32>
    %convert_element_type3A_5 = arith.truncf %get3A_4 : vector<64x128xf32> to vector<64x128xbf16>
    %dot_general3A = arith.constant dense<0.000000e+00> : vector<32768x128xf32>
    %dot_general3A_6 = tpu.matmul %convert_element_type3A, %convert_element_type3A_5, %dot_general3A {dimension_numbers = #tpu.dot_dimension_numbers<[0], [0], [1], [1], [0, 1, 1, 1], [], []>, transpose_lhs_hint = false} : vector<64x32768xbf16>, vector<64x128xbf16>, vector<32768x128xf32> -> vector<32768x128xf32>
    %convert_element_type3A_7 = arith.truncf %dot_general3A_6 : vector<32768x128xf32> to vector<32768x128xbf16>
    %bitcast3A = tpu.bitcast %convert_element_type3A_7 : vector<32768x128xbf16> -> vector<16384x128xf32>
    %swap3A = arith.constant 0 : index
    %swap3A_8 = arith.constant 0 : index
    %swap3A_9 = vector.load %arg3[%swap3A, %swap3A_8] : memref<16384x128xf32, #tpu.memory_space<vmem>>, vector<16384x128xf32>
    tpu.vector_store %arg3[%swap3A, %swap3A_8], %bitcast3A {strides = array<i32>} : memref<16384x128xf32, #tpu.memory_space<vmem>>, vector<16384x128xf32>,
    return
  }
  func.func @transform_0(%arg0: i32) -> (i32, i32) {
    %c0_i32 = arith.constant 0 : i32
    %c0_i32_0 = arith.constant 0 : i32
    return %c0_i32, %arg0 : i32, i32
  }
  func.func @transform_1(%arg0: i32) -> (i32, i32) {
    %c0_i32 = arith.constant 0 : i32
    %c0_i32_0 = arith.constant 0 : i32
    %c0_i32_1 = arith.constant 0 : i32
    return %c0_i32, %c0_i32_0 : i32, i32
  }
  func.func @transform_2(%arg0: i32) -> (i32, i32) {
    %c0_i32 = arith.constant 0 : i32
    %c0_i32_0 = arith.constant 0 : i32
    return %arg0, %c0_i32 : i32, i32
  }
}

module attributes {stable_mosaic.version = 14 : i64} {
  func.func @_project_body(%arg0: i32, %arg1: memref<64x32768xf32, #tpu.memory_space<vmem>>, %arg2: memref<64x128xf32, #tpu.memory_space<vmem>>, %arg3: memref<16384x128xf32, #tpu.memory_space<vmem>>) attributes {dimension_semantics = [#tpu.dimension_semantics<parallel>], iteration_bounds = array<i64: 4>, scalar_prefetch = 0 : i64, scratch_operands = 0 : i64, tpu.core_type = #tpu.core_type<tc>, window_params = [{transform_indices = @transform_0, window_bounds = array<i64: 64, 32768>}, {pipeline_mode = #tpu.pipeline_mode<synchronous>, transform_indices = @transform_1, window_bounds = array<i64: 64, 128>}, {transform_indices = @transform_2, window_bounds = array<i64: 16384, 128>}]} {
    %get3A = arith.constant 0 : index
    %get3A_0 = arith.constant 0 : index
    %get3A_1 = vector.load %arg1[%get3A, %get3A_0] : memref<64x32768xf32, #tpu.memory_space<vmem>>, vector<64x32768xf32>
    %convert_element_type3A = arith.truncf %get3A_1 : vector<64x32768xf32> to vector<64x32768xbf16>
    %get3A_2 = arith.constant 0 : index
    %get3A_3 = arith.constant 0 : index
    %get3A_4 = vector.load %arg2[%get3A_2, %get3A_3] : memref<64x128xf32, #tpu.memory_space<vmem>>, vector<64x128xf32>
    %convert_element_type3A_5 = arith.truncf %get3A_4 : vector<64x128xf32> to vector<64x128xbf16>
    %dot_general3A = arith.constant dense<0.000000e+00> : vector<32768x128xf32>
    %dot_general3A_6 = tpu.matmul %convert_element_type3A, %convert_element_type3A_5, %dot_general3A {dimension_numbers = #tpu.dot_dimension_numbers<[0], [0], [1], [1], [0, 1, 1, 1], [], []>, transpose_lhs_hint = false} : vector<64x32768xbf16>, vector<64x128xbf16>, vector<32768x128xf32> -> vector<32768x128xf32>
    %convert_element_type3A_7 = arith.truncf %dot_general3A_6 : vector<32768x128xf32> to vector<32768x128xbf16>
    %bitcast3A = tpu.bitcast %convert_element_type3A_7 : vector<32768x128xbf16> -> vector<16384x128xf32>
    %swap3A = arith.constant 0 : index
    %swap3A_8 = arith.constant 0 : index
    %swap3A_9 = vector.load %arg3[%swap3A, %swap3A_8] : memref<16384x128xf32, #tpu.memory_space<vmem>>, vector<16384x128xf32>
    tpu.vector_store %arg3[%swap3A, %swap3A_8], %bitcast3A {strides = array<i32>} : memref<16384x128xf32, #tpu.memory_space<vmem>>, vector<16384x128xf32>,
    return
  }
  func.func @transform_0(%arg0: i32) -> (i32, i32) {
    %c0_i32 = arith.constant 0 : i32
    %c0_i32_0 = arith.constant 0 : i32
    return %c0_i32, %arg0 : i32, i32
  }
  func.func @transform_1(%arg0: i32) -> (i32, i32) {
    %c0_i32 = arith.constant 0 : i32
    %c0_i32_0 = arith.constant 0 : i32
    %c0_i32_1 = arith.constant 0 : i32
    return %c0_i32, %c0_i32_0 : i32, i32
  }
  func.func @transform_2(%arg0: i32) -> (i32, i32) {
    %c0_i32 = arith.constant 0 : i32
    %c0_i32_0 = arith.constant 0 : i32
    return %arg0, %c0_i32 : i32, i32
  }
}

module attributes {stable_mosaic.version = 14 : i64} {
  func.func @_tail_body(%arg0: i32, %arg1: memref<2048x128xf32, #tpu.memory_space<vmem>>, %arg2: memref<2048x128xf32, #tpu.memory_space<vmem>>, %arg3: memref<2048x1xf32, #tpu.memory_space<vmem>>, %arg4: memref<2048x1xf32, #tpu.memory_space<vmem>>, %arg5: memref<1x64xf32, #tpu.memory_space<vmem>>, %arg6: memref<64x32xf32, #tpu.memory_space<vmem>>, %arg7: memref<1x32xf32, #tpu.memory_space<vmem>>, %arg8: memref<32x1xf32, #tpu.memory_space<vmem>>, %arg9: memref<1x1xf32, #tpu.memory_space<vmem>>, %arg10: memref<2048x1xf32, #tpu.memory_space<vmem>>) attributes {dimension_semantics = [#tpu.dimension_semantics<parallel>], iteration_bounds = array<i64: 8>, scalar_prefetch = 0 : i64, scratch_operands = 0 : i64, tpu.core_type = #tpu.core_type<tc>, window_params = [{transform_indices = @transform_0, window_bounds = array<i64: 2048, 128>}, {transform_indices = @transform_1, window_bounds = array<i64: 2048, 128>}, {transform_indices = @transform_2, window_bounds = array<i64: 2048, 1>}, {transform_indices = @transform_3, window_bounds = array<i64: 2048, 1>}, {pipeline_mode = #tpu.pipeline_mode<synchronous>, transform_indices = @transform_4, window_bounds = array<i64: 1, 64>}, {pipeline_mode = #tpu.pipeline_mode<synchronous>, transform_indices = @transform_5, window_bounds = array<i64: 64, 32>}, {pipeline_mode = #tpu.pipeline_mode<synchronous>, transform_indices = @transform_6, window_bounds = array<i64: 1, 32>}, {pipeline_mode = #tpu.pipeline_mode<synchronous>, transform_indices = @transform_7, window_bounds = array<i64: 32, 1>}, {pipeline_mode = #tpu.pipeline_mode<synchronous>, transform_indices = @transform_8, window_bounds = array<i64: 1, 1>}, {transform_indices = @transform_9, window_bounds = array<i64: 2048, 1>}]} {
    %get3A = arith.constant 0 : index
    %get3A_0 = arith.constant 0 : index
    %get3A_1 = vector.load %arg1[%get3A, %get3A_0] : memref<2048x128xf32, #tpu.memory_space<vmem>>, vector<2048x128xf32>
    %slice3A = vector.extract_strided_slice %get3A_1 {offsets = [0, 0], sizes = [2048, 64], strides = [1, 1]} : vector<2048x128xf32> to vector<2048x64xf32>
    %get3A_2 = arith.constant 0 : index
    %get3A_3 = arith.constant 0 : index
    %get3A_4 = vector.load %arg3[%get3A_2, %get3A_3] : memref<2048x1xf32, #tpu.memory_space<vmem>>, vector<2048x1xf32>
    %bitcast3A = tpu.bitcast %slice3A : vector<2048x64xf32> -> vector<2048x64xi32>
    %shift_left3A = arith.constant 16 : i32
    %shift_left3A_5 = vector.broadcast %shift_left3A : i32 to vector<2048x64xi32>
    %shift_left3A_6 = arith.shli %bitcast3A, %shift_left3A_5 : vector<2048x64xi32>
    %bitcast3A_7 = tpu.bitcast %shift_left3A_6 : vector<2048x64xi32> -> vector<2048x64xf32>
    %and3A = arith.constant -65536 : i32
    %and3A_8 = vector.broadcast %and3A : i32 to vector<2048x64xi32>
    %and3A_9 = arith.andi %bitcast3A, %and3A_8 : vector<2048x64xi32>
    %bitcast3A_10 = tpu.bitcast %and3A_9 : vector<2048x64xi32> -> vector<2048x64xf32>
    %gt3A = arith.constant 0.000000e+00 : f32
    %gt3A_11 = vector.broadcast %gt3A : f32 to vector<2048x1xf32>
    %gt3A_12 = arith.cmpf ogt, %get3A_4, %gt3A_11 : vector<2048x1xf32>
    %broadcast_in_dim3A = vector.shape_cast %gt3A_12 : vector<2048x1xi1> to vector<2048x1xi1>
    %broadcast_in_dim3A_13 = vector.broadcast %broadcast_in_dim3A : vector<2048x1xi1> to vector<2048x64xi1>
    %select_n3A = arith.select %broadcast_in_dim3A_13, %bitcast3A_10, %bitcast3A_7 : vector<2048x64xi1>, vector<2048x64xf32>
    %get3A_14 = arith.constant 0 : index
    %get3A_15 = arith.constant 0 : index
    %get3A_16 = vector.load %arg2[%get3A_14, %get3A_15] : memref<2048x128xf32, #tpu.memory_space<vmem>>, vector<2048x128xf32>
    %slice3A_17 = vector.extract_strided_slice %get3A_16 {offsets = [0, 64], sizes = [2048, 64], strides = [1, 1]} : vector<2048x128xf32> to vector<2048x64xf32>
    %get3A_18 = arith.constant 0 : index
    %get3A_19 = arith.constant 0 : index
    %get3A_20 = vector.load %arg4[%get3A_18, %get3A_19] : memref<2048x1xf32, #tpu.memory_space<vmem>>, vector<2048x1xf32>
    %bitcast3A_21 = tpu.bitcast %slice3A_17 : vector<2048x64xf32> -> vector<2048x64xi32>
    %shift_left3A_22 = arith.constant 16 : i32
    %shift_left3A_23 = vector.broadcast %shift_left3A_22 : i32 to vector<2048x64xi32>
    %shift_left3A_24 = arith.shli %bitcast3A_21, %shift_left3A_23 : vector<2048x64xi32>
    %bitcast3A_25 = tpu.bitcast %shift_left3A_24 : vector<2048x64xi32> -> vector<2048x64xf32>
    %and3A_26 = arith.constant -65536 : i32
    %and3A_27 = vector.broadcast %and3A_26 : i32 to vector<2048x64xi32>
    %and3A_28 = arith.andi %bitcast3A_21, %and3A_27 : vector<2048x64xi32>
    %bitcast3A_29 = tpu.bitcast %and3A_28 : vector<2048x64xi32> -> vector<2048x64xf32>
    %gt3A_30 = arith.constant 0.000000e+00 : f32
    %gt3A_31 = vector.broadcast %gt3A_30 : f32 to vector<2048x1xf32>
    %gt3A_32 = arith.cmpf ogt, %get3A_20, %gt3A_31 : vector<2048x1xf32>
    %broadcast_in_dim3A_33 = vector.shape_cast %gt3A_32 : vector<2048x1xi1> to vector<2048x1xi1>
    %broadcast_in_dim3A_34 = vector.broadcast %broadcast_in_dim3A_33 : vector<2048x1xi1> to vector<2048x64xi1>
    %select_n3A_35 = arith.select %broadcast_in_dim3A_34, %bitcast3A_29, %bitcast3A_25 : vector<2048x64xi1>, vector<2048x64xf32>
    %add3A = arith.addf %select_n3A, %select_n3A_35 : vector<2048x64xf32>
    %get3A_36 = arith.constant 0 : index
    %get3A_37 = arith.constant 0 : index
    %get3A_38 = vector.load %arg5[%get3A_36, %get3A_37] : memref<1x64xf32, #tpu.memory_space<vmem>>, vector<1x64xf32>
    %add3A_39 = vector.broadcast %get3A_38 : vector<1x64xf32> to vector<2048x64xf32>
    %add3A_40 = arith.addf %add3A, %add3A_39 : vector<2048x64xf32>
    %max3A = arith.constant 0.000000e+00 : f32
    %max3A_41 = vector.broadcast %max3A : f32 to vector<2048x64xf32>
    %max3A_42 = arith.maximumf %add3A_40, %max3A_41 : vector<2048x64xf32>
    %get3A_43 = arith.constant 0 : index
    %get3A_44 = arith.constant 0 : index
    %get3A_45 = vector.load %arg6[%get3A_43, %get3A_44] : memref<64x32xf32, #tpu.memory_space<vmem>>, vector<64x32xf32>
    %dot_general3A = arith.constant dense<0.000000e+00> : vector<2048x32xf32>
    %dot_general3A_46 = tpu.matmul %max3A_42, %get3A_45, %dot_general3A {dimension_numbers = #tpu.dot_dimension_numbers<[1], [0], [0], [1], [0, 0, 1, 1], [], []>, transpose_lhs_hint = false} : vector<2048x64xf32>, vector<64x32xf32>, vector<2048x32xf32> -> vector<2048x32xf32>
    %get3A_47 = arith.constant 0 : index
    %get3A_48 = arith.constant 0 : index
    %get3A_49 = vector.load %arg7[%get3A_47, %get3A_48] : memref<1x32xf32, #tpu.memory_space<vmem>>, vector<1x32xf32>
    %add3A_50 = vector.broadcast %get3A_49 : vector<1x32xf32> to vector<2048x32xf32>
    %add3A_51 = arith.addf %dot_general3A_46, %add3A_50 : vector<2048x32xf32>
    %max3A_52 = arith.constant 0.000000e+00 : f32
    %max3A_53 = vector.broadcast %max3A_52 : f32 to vector<2048x32xf32>
    %max3A_54 = arith.maximumf %add3A_51, %max3A_53 : vector<2048x32xf32>
    %get3A_55 = arith.constant 0 : index
    %get3A_56 = arith.constant 0 : index
    %get3A_57 = vector.load %arg8[%get3A_55, %get3A_56] : memref<32x1xf32, #tpu.memory_space<vmem>>, vector<32x1xf32>
    %dot_general3A_58 = arith.constant dense<0.000000e+00> : vector<2048x1xf32>
    %dot_general3A_59 = tpu.matmul %max3A_54, %get3A_57, %dot_general3A_58 {dimension_numbers = #tpu.dot_dimension_numbers<[1], [0], [0], [1], [0, 0, 1, 1], [], []>, transpose_lhs_hint = false} : vector<2048x32xf32>, vector<32x1xf32>, vector<2048x1xf32> -> vector<2048x1xf32>
    %get3A_60 = arith.constant 0 : index
    %get3A_61 = arith.constant 0 : index
    %get3A_62 = vector.load %arg9[%get3A_60, %get3A_61] : memref<1x1xf32, #tpu.memory_space<vmem>>, vector<1x1xf32>
    %add3A_63 = vector.broadcast %get3A_62 : vector<1x1xf32> to vector<2048x1xf32>
    %add3A_64 = arith.addf %dot_general3A_59, %add3A_63 : vector<2048x1xf32>
    %logistic3A = arith.negf %add3A_64 : vector<2048x1xf32>
    %logistic3A_65 = math.exp %logistic3A : vector<2048x1xf32>
    %logistic3A_66 = arith.constant 1.000000e+00 : f32
    %logistic3A_67 = vector.broadcast %logistic3A_66 : f32 to vector<2048x1xf32>
    %logistic3A_68 = arith.addf %logistic3A_67, %logistic3A_65 : vector<2048x1xf32>
    %logistic3A_69 = arith.divf %logistic3A_67, %logistic3A_68 : vector<2048x1xf32>
    %swap3A = arith.constant 0 : index
    %swap3A_70 = arith.constant 0 : index
    %swap3A_71 = vector.load %arg10[%swap3A, %swap3A_70] : memref<2048x1xf32, #tpu.memory_space<vmem>>, vector<2048x1xf32>
    tpu.vector_store %arg10[%swap3A, %swap3A_70], %logistic3A_69 {strides = array<i32>} : memref<2048x1xf32, #tpu.memory_space<vmem>>, vector<2048x1xf32>,
    return
  }
  func.func @transform_0(%arg0: i32) -> (i32, i32) {
    %c0_i32 = arith.constant 0 : i32
    %c0_i32_0 = arith.constant 0 : i32
    return %arg0, %c0_i32 : i32, i32
  }
  func.func @transform_1(%arg0: i32) -> (i32, i32) {
    %c0_i32 = arith.constant 0 : i32
    %c0_i32_0 = arith.constant 0 : i32
    return %arg0, %c0_i32 : i32, i32
  }
  func.func @transform_2(%arg0: i32) -> (i32, i32) {
    %c0_i32 = arith.constant 0 : i32
    %c0_i32_0 = arith.constant 0 : i32
    return %arg0, %c0_i32 : i32, i32
  }
  func.func @transform_3(%arg0: i32) -> (i32, i32) {
    %c0_i32 = arith.constant 0 : i32
    %c0_i32_0 = arith.constant 0 : i32
    return %arg0, %c0_i32 : i32, i32
  }
  func.func @transform_4(%arg0: i32) -> (i32, i32) {
    %c0_i32 = arith.constant 0 : i32
    %c0_i32_0 = arith.constant 0 : i32
    %c0_i32_1 = arith.constant 0 : i32
    return %c0_i32, %c0_i32_0 : i32, i32
  }
  func.func @transform_5(%arg0: i32) -> (i32, i32) {
    %c0_i32 = arith.constant 0 : i32
    %c0_i32_0 = arith.constant 0 : i32
    %c0_i32_1 = arith.constant 0 : i32
    return %c0_i32, %c0_i32_0 : i32, i32
  }
  func.func @transform_6(%arg0: i32) -> (i32, i32) {
    %c0_i32 = arith.constant 0 : i32
    %c0_i32_0 = arith.constant 0 : i32
    %c0_i32_1 = arith.constant 0 : i32
    return %c0_i32, %c0_i32_0 : i32, i32
  }
  func.func @transform_7(%arg0: i32) -> (i32, i32) {
    %c0_i32 = arith.constant 0 : i32
    %c0_i32_0 = arith.constant 0 : i32
    %c0_i32_1 = arith.constant 0 : i32
    return %c0_i32, %c0_i32_0 : i32, i32
  }
  func.func @transform_8(%arg0: i32) -> (i32, i32) {
    %c0_i32 = arith.constant 0 : i32
    %c0_i32_0 = arith.constant 0 : i32
    %c0_i32_1 = arith.constant 0 : i32
    return %c0_i32, %c0_i32_0 : i32, i32
  }
  func.func @transform_9(%arg0: i32) -> (i32, i32) {
    %c0_i32 = arith.constant 0 : i32
    %c0_i32_0 = arith.constant 0 : i32
    return %arg0, %c0_i32 : i32, i32
  }
}

</mosaic_0001>

<sc_bundles>
// kernel: kernel.6.cloned.1.call-start
scs
__scs_entry_jumppad:
0x0: {  	(pc) =	sbr.rel $0x88, $3  }
0x1: {  	(tag) =	ssettag $0x0;
	lr =	simm.s32 $0x1  }
0x2: {  	[smem:$0x3F97] =	sst lr;
	_ =	strace $0xD0000000  }
0x3: {  	_ = 	snop  }
0x4: {  	_ = 	snop  }
0x5: {  	_ = 	snop  }
0x6: {  	_ = 	snop  }
0x7: {  	_ = 	snop  }
__scs_overlays_trampoline_lowered:
0x8: {  	[smem:$0x3FA6] =	sst s0  }
0x9: {  	[smem:$0x3FA7] =	sst s1  }
0xa: {  	[smem:$0x3FA8] =	sst s2  }
0xb: {  	[smem:$0x3FA9] =	sst s3  }
0xc: {  	[smem:$0x3FAA] =	sst s4  }
0xd: {  	[smem:$0x3FAB] =	sst s5  }
0xe: {  	[smem:$0x3FAC] =	sst s6  }
0xf: {  	[smem:$0x3FAD] =	sst s7  }
0x10: {  	[smem:$0x3FAE] =	sst s8  }
0x11: {  	[smem:$0x3FAF] =	sst s9;
	s0 =	simm.s32 @!p0 $0x0  }
0x12: {  	s1 =	sld [smem:$0x3F95];
	s0 =	simm.s32 @p0 $0x1  }
0x13: {  	[smem:$0x3FB0] =	sst s0;
	s0 =	simm.s32 @!p1 $0x0  }
0x14: {  	s2 =	sld [smem:$0x3F94];
	s0 =	simm.s32 @p1 $0x1  }
0x15: {  	[smem:$0x3FB1] =	sst s0;
	s0 =	simm.s32 @!p2 $0x0  }
0x16: {  	s3 =	sld [smem:$0x3FDB];
	s0 =	simm.s32 @p2 $0x1  }
0x17: {  	s4 =	simm.s32 $0x1BF5;
	[smem:$0x3FB3] =	sst s0  }
0x18: {  	s0 =	sld [smem:$0x3F96];
	_ =	swait.ge [sflag:s4], $0x0  }
0x19: {  	s7 =	sld [smem:$0x3F97]  }
0x1a: {  	s8 =	sadd.s32 $0xFFFFE003, lr  }
0x1b: {  	s9 =	sadd.s32 $0xFFFFFEF7, lr;
	s5 =	simm.s32 $0xFFFFFFFF;
	p2 =	slt.u32 s8, $0xFFFFF086  }
0x1c: {  	p1 =	slt.u32 s9, $0xF7A;
	s5 =	simm.s32 @!p2 $0x0  }
0x1d: {  	s5 =	simm.s32 @p1 $0x1;
	p0 =	seq.s32 s7, s2  }
0x1e: {  	s7 =	smul.u32 @!p0 $0xF7A, s2;
	p2 =	seq.s32 @!p0 s5, $0x0  }
0x1f: {  	s9 =	smul.u32 $0xF7A, s1;
	s8 =	simm.s32 @!p0 $0x1BF5;
	p2 =	por !p2, p0  }
0x20: {  	[sflag:s8] =	ssyncset.s32 @!p0 $0xFFFFF086;
	s6 =	sadd.s32 @!p0 s3, s7;
	s7 =	simm.s32 @!p0 $0x108  }
0x21: {  	s3 =	sadd.s32 s3, s9;
	s6 =	sadd.s32 @!p0 $0x88, s6;
	s7 =	simm.s32 @p2 $0x1082  }
0x22: {  	[simem:s7], [sflag:s8] =	dma.local @!p0 [hbm:s6], $0xF7A  }
0x23: {  	s9 =	sor.u32 $0xD0000000, s2;
	s6 =	simm.s32 $0x108;
	_ =	swait.ge @!p0 [sflag:s8], $0x0  }
0x24: {  	s3 =	sadd.s32 $0x88, s3;
	s6 =	simm.s32 @!p1 $0x1082;
	[sflag:s4] =	ssyncset.s32 $0xFFFFF086  }
0x25: {  	[simem:s6], [sflag:s4] =	dma.local [hbm:s3], $0xF7A  }
0x26: {  	[smem:$0x3F97] =	sst s1;
	(tag) =	ssettag s2;
	_ =	strace s9  }
0x27: {  	s1 =	sld [smem:$0x3FA7]  }
0x28: {  	s2 =	sld [smem:$0x3FA8]  }
0x29: {  	s4 =	sld [smem:$0x3FAA]  }
0x2a: {  	p0 =	seq.s32 s5, $0x0;
	s5 =	sld [smem:$0x3FAB]  }
0x2b: {  	s6 =	sld [smem:$0x3FAC]  }
0x2c: {  	s7 =	sld [smem:$0x3FAD]  }
0x2d: {  	s3 =	simm.s32 $0x108;
	s8 =	sld [smem:$0x3FAE]  }
0x2e: {  	s3 =	simm.s32 @!p0 $0x1082;
	s9 =	sld [smem:$0x3FAF]  }
0x2f: {  	lr =	sadd.s32 s0, s3;
	s0 =	sld [smem:$0x3FA6]  }
0x30: {  	s3 =	sld [smem:$0x3FA9]  }
0x31: {  	[smem:$0x3FB2] =	sst s10  }
0x32: {  	s10 =	sld [smem:$0x3FB0];
	_ =	sdelay $0x3  }
0x33: {  	p0 =	seq.s32 s10, $0x1;
	s10 =	sld [smem:$0x3FB2];
	_ =	sdelay $0x3  }
0x34: {  	[smem:$0x3FB2] =	sst s10  }
0x35: {  	s10 =	sld [smem:$0x3FB1];
	_ =	sdelay $0x3  }
0x36: {  	p1 =	seq.s32 s10, $0x1;
	s10 =	sld [smem:$0x3FB2];
	_ =	sdelay $0x3  }
0x37: {  	[smem:$0x3FB2] =	sst s10  }
0x38: {  	s10 =	sld [smem:$0x3FB3]  }
0x39: {  	_ = 	snop;
	(pc) =	sbr.ind lr, $3  }
0x3a: {  	_ = 	snop  }
0x3b: {  	_ = 	snop  }
0x3c: {  	p2 =	seq.s32 s10, $0x1;
	s10 =	sld [smem:$0x3FB2]  }
0x3d: {  	_ =	shalt  }
0x3e: {  	_ =	shalt  }
0x3f: {  	_ =	shalt  }
0x40: {  	_ =	shalt  }
0x41: {  	_ =	shalt  }
0x42: {  	_ =	shalt  }
0x43: {  	_ =	shalt  }
0x44: {  	_ =	shalt  }
0x45: {  	_ =	shalt  }
0x46: {  	_ =	shalt  }
0x47: {  	_ =	shalt  }
0x48: {  	_ =	shalt  }
0x49: {  	_ =	shalt  }
0x4a: {  	_ =	shalt  }
0x4b: {  	_ =	shalt  }
0x4c: {  	_ =	shalt  }
0x4d: {  	_ =	shalt  }
0x4e: {  	_ =	shalt  }
0x4f: {  	_ =	shalt  }
0x50: {  	_ =	shalt  }
0x51: {  	_ =	shalt  }
0x52: {  	_ =	shalt  }
0x53: {  	_ =	shalt  }
0x54: {  	_ =	shalt  }
0x55: {  	_ =	shalt  }
0x56: {  	_ =	shalt  }
0x57: {  	_ =	shalt  }
0x58: {  	_ =	shalt  }
0x59: {  	_ =	shalt  }
0x5a: {  	_ =	shalt  }
0x5b: {  	_ =	shalt  }
0x5c: {  	_ =	shalt  }
0x5d: {  	_ =	shalt  }
0x5e: {  	_ =	shalt  }
0x5f: {  	_ =	shalt  }
0x60: {  	_ =	shalt  }
0x61: {  	_ =	shalt  }
0x62: {  	_ =	shalt  }
0x63: {  	_ =	shalt  }
0x64: {  	_ =	shalt  }
0x65: {  	_ =	shalt  }
0x66: {  	_ =	shalt  }
0x67: {  	_ =	shalt  }
0x68: {  	_ =	shalt  }
0x69: {  	_ =	shalt  }
0x6a: {  	_ =	shalt  }
0x6b: {  	_ =	shalt  }
0x6c: {  	_ =	shalt  }
0x6d: {  	_ =	shalt  }
0x6e: {  	_ =	shalt  }
0x6f: {  	_ =	shalt  }
0x70: {  	_ =	shalt  }
0x71: {  	_ =	shalt  }
0x72: {  	_ =	shalt  }
0x73: {  	_ =	shalt  }
0x74: {  	_ =	shalt  }
0x75: {  	_ =	shalt  }
0x76: {  	_ =	shalt  }
0x77: {  	_ =	shalt  }
0x78: {  	_ =	shalt  }
0x79: {  	_ =	shalt  }
0x7a: {  	_ =	shalt  }
0x7b: {  	_ =	shalt  }
0x7c: {  	_ =	shalt  }
0x7d: {  	_ =	shalt  }
0x7e: {  	_ =	shalt  }
0x7f: {  	_ =	shalt  }
0x80: {  	_ =	shalt  }
0x81: {  	_ =	shalt  }
0x82: {  	_ =	shalt  }
0x83: {  	_ =	shalt  }
0x84: {  	_ =	shalt  }
0x85: {  	_ =	shalt  }
0x86: {  	_ =	shalt  }
0x87: {  	_ =	shalt  }
.Lfunc_end0:
.L_simem_size_0:
called_computation_lowered:
.L_overlay_start_0:
0x88: {  	s2 =	sld [smem:$0x3FD9]  }
0x89: {  	s3 =	sld [smem:$0x3FFE];
	_ =	sdelay $0x1  }
0x8a: {  	s1 =	srdreg.scid  }
0x8b: {  	s0 =	sand.u32 $0x1, s1  }
0x8c: {  	s16 =	sshll.u32 s0, $0xA;
	s2 =	sadd.s32 s3, s2  }
0x8d: {  	s2 =	sadd.s32 s2, s16  }
0x8e: {  	[smem:$0x3FBE] =	sst s2  }
0x8f: {  	_ = 	snop  }
0x90: {  	(tm) =	ssettm $0x1  }
0x91: {  	s17 =	sld [smem:$0x3FFB];
	_ =	sdelay $0x3  }
0x92: {  	_ =	strace s17  }
0x93: {  	s2 =	sld [smem:$0x3FFC];
	_ =	sdelay $0x3  }
0x94: {  	_ =	strace s2  }
0x95: {  	s2 =	sld [smem:$0x3FFD];
	_ =	sdelay $0x3  }
0x96: {  	_ =	strace s2  }
0x97: {  	_ =	strace $0x8FFFFFFF  }
0x98: {  	s18 =	sld [smem:$0x3FDB];
	_ =	sdelay $0x1  }
0x99: {  	s19 =	simm.s32 $_scs_section_size  }
0x9a: {  	s4 =	simm.s32 $_size__tile_overlayer_lowered;
	s5 =	simm.s32 $_tile_overlayer_lowered  }
0x9b: {  	s22 =	simm.s32 $0x1BFF;
	s21 =	sshll.u32 s5, $0x1;
	s2 =	sadd.s32 s19, s18  }
0x9c: {  	s6 =	simm.s32 $0x0;
	s20 =	sshll.u32 s4, $0x1;
	s4 =	sadd.s32 s21, s2  }
0x9d: {  	[timem:s6], [sflag:s22] =	dma.local [hbm:s4], s20  }
0x9e: {  	_ =	swait.ge [sflag:s22], s20  }
0x9f: {  	s3 =	ssub.s32 $0x0, s20;
	[sflag:s22] =	ssyncset.done $0x0  }
0xa0: {  	[sflag:s22] =	ssyncadd.s32 s3;
	_ =	sdelay $0x1  }
0xa1: {  	s23 =	simm.s32 $0x1B8B  }
0xa2: {  	_ =	swait.ge [sflag:s23], $0x1  }
0xa3: {  	[sflag:s23] =	ssyncset.done $0x0  }
0xa4: {  	s25 =	simm.s32 $0x1B8E;
	s24 =	sld [smem:$0x3FFE];
	[sflag:s23] =	ssyncadd.s32 $0xFFFFFFFF  }
0xa5: {  	s26 =	simm.s32 $execute0_lowered;
	[smem:$0x3FD2] =	sst s25  }
0xa6: {  	s4 =	sshll.u32 s26, $0x1;
	_ =	strace $0x80000046;
	[dreg:$0x1] =	wrdreg $0xFFFFFFFF  }
0xa7: {  	s28 =	simm.s32 $_size_execute0_lowered;
	s2 =	sadd.s32 s2, s4;
	[dreg:$0x0] =	wrdreg $0x0  }
0xa8: {  	s4 =	sshll.u32 s28, $0x1;
	[dreg:$0x2] =	wrdreg s2  }
0xa9: {  	[dreg:$0x3] =	wrdreg s4  }
0xaa: {  	[dreg:$0x4] =	wrdreg $0xC0  }
0xab: {  	_ =	task [dreg:s6], $0x5FFFF  }
0xac: {  	[dreg:$0x1] =	wrdreg $0xFFFFFFFF  }
0xad: {  	[dreg:$0x0] =	wrdreg $0x60  }
0xae: {  	[dreg:$0x2] =	wrdreg s24  }
0xaf: {  	[dreg:$0x3] =	wrdreg $0x9  }
0xb0: {  	_ =	task.clear_ibuf [dreg:s6], $0x4FFFF;
	_ =	strace $0x90000046  }
0xb1: {  	s29 =	simm.s32 $0x9;
	_ =	strace $0x80000048  }
0xb2: {  	_ =	swait.ge [sflag:s29], $0x1  }
0xb3: {  	[sflag:s29] =	ssyncadd.s32 $0xFFFFFFFF  }
0xb4: {  	_ =	strace $0x90000048  }
0xb5: {  	_ =	sfence  }
0xb6: {  	s30 =	sld [smem:$0x0];
	_ =	sdelay $0x2  }
0xb7: {  	s31 =	sshll.u32 s1, $0xD;
	s1 =	sshrl.u32 s1, $0x2  }
0xb8: {  	s3 =	sand.u32 $0x4000, s31;
	s1 =	sadd.s32 s1, s30  }
0xb9: {  	s0 =	sor.u32 s3, s0;
	s1 =	sshll.u32 s1, $0x11  }
0xba: {  	s0 =	sor.u32 s1, s0  }
0xbb: {  	s0 =	sadd.s32 $0x8F2B, s0  }
0xbc: {  	[sflag:s0] =	ssyncadd.remote.s32 $0x1  }
0xbd: {  	_ =	sfence.sel $0xFFFF  }
0xbe: {  	[dreg:$0x0] =	wrdreg $0xFFFFFFFF;
	(pc) =	sbr.abs _section_cstart, $3  }
0xbf: {  	[dreg:$0x1] =	wrdreg $0xFFFFFFFF  }
0xc0: {  	_ =	task.clear_ibuf [dreg:s6], $0x2FFFF;
	_ =	strace $0x9FFFFFFF  }
0xc1: {  	(tm) =	ssettm $0x7FFFFFFF  }
tec
execute0_lowered:
.L_overlay_start_1:
0x0: {  	(tag) =	ssettag $0x1  }
0x1: {  	s0 =	srdreg.scid;
	s2 =	stileid.u32  }
0x2: {  	s1 =	rddreg [dreg:$0x0];
	s29 =	simm.s32 $0x400;
	s30 =	simm.s32 $0x80  }
0x3: {  	s31 =	simm.s32 $0x480;
	s28 =	simm.s32 $0x500;
	p0 =	por $0x0, $0x0  }
0x4: {  	s0 =	sand.u32 $0x1, s0;
	s3 =	sshll.u32 s2, $0x1;
	s2 =	simm.s32 $0x0  }
0x5: {  	s6 =	sadd.s32 $0x868C00, s1;
	s8 =	sadd.s32 $0x8A8C00, s1;
	s3 =	sor.u32 s0, s3  }
0x6: {  	[smem:$0x7FF] =	sst s2;
	s0 =	ssub.s32 $0x2, s0;
	s4 =	sshll.u32 s3, $0x7  }
0x7: {  	_ =	strace $0x80000047;
	s3 =	sshll.u32 s3, $0xD;
	s25 =	sshrl.u32 s0, $0x1  }
0x8: {  	s4 =	sadd.s32 s4, s1;
	s7 =	sadd.s32 s8, s3;
	s9 =	sor.u32 $0x400, s3  }
0x9: {  	s12 =	sor.u32 $0x800, s3;
	s15 =	sor.u32 $0xC00, s3;
	s22 =	sor.u32 $0x1800, s3  }
0xa: {  	s0 =	ssub.s32 s0, s25;
	s25 =	simm.s32 $0x580;
	s5 =	sadd.s32 $0x1C00, s4  }
0xb: {  	s4 =	sadd.s32 $0x3400, s4;
	[dreg:$0x5] =	wrdreg s7;
	s10 =	sadd.s32 s6, s9  }
0xc: {  	s11 =	sadd.s32 s8, s9;
	s13 =	sadd.s32 s6, s12;
	[dreg:$0x2] =	wrdreg s5  }
0xd: {  	s14 =	sadd.s32 s8, s12;
	s16 =	sadd.s32 s6, s15;
	[dreg:$0x3] =	wrdreg s4  }
0xe: {  	s17 =	sadd.s32 s8, s15;
	s7 =	sor.u32 $0x1000, s3;
	[dreg:$0x6] =	wrdreg s10  }
0xf: {  	s9 =	sor.u32 $0x1400, s3;
	s23 =	sadd.s32 s6, s22;
	[dreg:$0x7] =	wrdreg s11  }
0x10: {  	s24 =	sadd.s32 s8, s22;
	s0 =	smax.u32 s0, $0x1;
	[dreg:$0x8] =	wrdreg s13  }
0x11: {  	s12 =	simm.s32 $0x800;
	s15 =	simm.s32 $0x1;
	[dreg:$0x9] =	wrdreg s14  }
0x12: {  	s22 =	simm.s32 $0x200;
	s5 =	sadd.s32 s6, s3;
	[dreg:$0xa] =	wrdreg s16  }
0x13: {  	[dreg:$0xb] =	wrdreg s17;
	s18 =	sadd.s32 s6, s7;
	s19 =	sadd.s32 s8, s7  }
0x14: {  	s7 =	sadd.s32 $0x7A5600, s1;
	s20 =	sadd.s32 s6, s9;
	[dreg:$0x10] =	wrdreg s23  }
0x15: {  	s21 =	sadd.s32 s8, s9;
	s3 =	sor.u32 $0x1C00, s3;
	[dreg:$0x11] =	wrdreg s24  }
0x16: {  	s13 =	simm.s32 $0x40;
	s9 =	simm.s32 $0x4800;
	s14 =	simm.s32 $0x3  }
0x17: {  	s11 =	simm.s32 $0x2;
	s10 =	simm.s32 $0x4;
	[dreg:$0x4] =	wrdreg s5  }
0x18: {  	s24 =	simm.s32 $0x180;
	s23 =	simm.s32 $0x600;
	[dreg:$0xc] =	wrdreg s18  }
0x19: {  	p1 =	sne.s32 s0, $0x1;
	s16 =	simm.s32 $0x380;
	[dreg:$0xd] =	wrdreg s19  }
0x1a: {  	s17 =	simm.s32 $0x780;
	s5 =	sadd.s32 $0x4400, s1;
	[dreg:$0xe] =	wrdreg s20  }
.Ltmp0:
0x1b: {  	[dreg:$0xf] =	wrdreg s21;
	s26 =	sadd.s32 s6, s3;
	(pc) =	sbr.rel @!p1 .LBB2_3-.Ltmp0, $4  }
0x1c: {  	s4 =	sadd.s32 s8, s3;
	s3 =	simm.s32 $0x5;
	s8 =	simm.s32 $0x2800  }
0x1d: {  	s6 =	simm.s32 $0x6800;
	s1 =	sadd.s32 $0xFFFFFFFF, s0;
	s20 =	simm.s32 $0x280  }
0x1e: {  	s21 =	simm.s32 $0x680;
	s18 =	simm.s32 $0x300;
	s0 =	rddreg [dreg:$0x2]  }
0x1f: {  	s19 =	simm.s32 $0x700;
	[dreg:$0x12] =	wrdreg s26;
	s26 =	simm.s32 $0x100  }
0x20: {  	[tilespmem:s2], [sflag:$0x5] =	stream.linear.gather [hbm4b:s0+s2], $0x400, $0x38;
	[tilespmem:$0x8800] =	vst v63  }
0x21: {  	_ =	swait.ge [sflag:s3], $0x400  }
0x22: {  	[sflag:s3] =	ssyncset.done $0x0  }
0x23: {  	s0 =	rddreg [dreg:$0x3];
	[sflag:s3] =	ssyncadd.s32 $0xFFFFFC00  }
0x24: {  	[tilespmem:s29], [sflag:$0x5] =	stream.linear.gather [hbm4b:s0+s2], $0x400, $0x38;
	[tilespmem:$0x8800] =	vst v63  }
0x25: {  	_ =	swait.ge [sflag:s3], $0x400  }
0x26: {  	[sflag:s3] =	ssyncset.done $0x0  }
0x27: {  	[sflag:s3] =	ssyncadd.s32 $0xFFFFFC00  }
0x28: {  	[tilespmem:s12], [sflag:$0x1] =	stream.indirect.gather [hbm4b:s5+s13], $0x80, s2, s13, $0xb8;
	[tilespmem:$0x8800] =	vst v63  }
0x29: {  	_ = 	snop  }
0x2a: {  	[tilespmem:s9], [sflag:$0x3] =	stream.indirect.gather [hbm4b:s7+s13], $0x80, s29, s13, $0xb8;
	[tilespmem:$0x8800] =	vst v63  }
0x2b: {  	_ = 	snop  }
0x2c: {  	[tilespmem:s8], [sflag:$0x2] =	stream.indirect.gather [hbm4b:s5+s13], $0x80, s30, s13, $0xb8;
	[tilespmem:$0x8800] =	vst v63  }
0x2d: {  	_ = 	snop  }
0x2e: {  	[tilespmem:s6], [sflag:$0x4] =	stream.indirect.gather [hbm4b:s7+s13], $0x80, s31, s13, $0xb8;
	[tilespmem:$0x8800] =	vst v63  }
0x2f: {  	_ =	swait.ge [sflag:s15], $0x2000  }
0x30: {  	[sflag:s15] =	ssyncset.done $0x0  }
0x31: {  	[sflag:s15] =	ssyncadd.s32 $0xFFFFE000  }
0x32: {  	_ =	swait.ge [sflag:s14], $0x2000  }
0x33: {  	[sflag:s14] =	ssyncset.done $0x0  }
0x34: {  	s0 =	rddreg [dreg:$0x4];
	[sflag:s14] =	ssyncadd.s32 $0xFFFFE000  }
0x35: {  	[hbm4b:s0+s2] =	stream.linear.scatter [tilespmem:s12], [sflag:$0x5], $0x2000, $0x38;
	[tilespmem:$0x8800] =	vst v63  }
0x36: {  	_ =	swait.ge [sflag:s3], $0x2000  }
0x37: {  	[sflag:s3] =	ssyncset.done $0x0  }
0x38: {  	s0 =	rddreg [dreg:$0x5];
	[sflag:s3] =	ssyncadd.s32 $0xFFFFE000  }
0x39: {  	[hbm4b:s0+s2] =	stream.linear.scatter [tilespmem:s9], [sflag:$0x5], $0x2000, $0x38;
	[tilespmem:$0x8800] =	vst v63  }
0x3a: {  	_ =	swait.ge [sflag:s3], $0x2000  }
0x3b: {  	[sflag:s3] =	ssyncset.done $0x0  }
0x3c: {  	[sflag:s3] =	ssyncadd.s32 $0xFFFFE000  }
0x3d: {  	[tilespmem:s12], [sflag:$0x1] =	stream.indirect.gather [hbm4b:s5+s13], $0x80, s26, s13, $0xb8;
	[tilespmem:$0x8800] =	vst v63  }
0x3e: {  	_ = 	snop  }
0x3f: {  	[tilespmem:s9], [sflag:$0x3] =	stream.indirect.gather [hbm4b:s7+s13], $0x80, s28, s13, $0xb8;
	[tilespmem:$0x8800] =	vst v63  }
0x40: {  	_ =	swait.ge [sflag:s11], $0x2000  }
0x41: {  	[sflag:s11] =	ssyncset.done $0x0  }
0x42: {  	[sflag:s11] =	ssyncadd.s32 $0xFFFFE000  }
0x43: {  	_ =	swait.ge [sflag:s10], $0x2000  }
0x44: {  	[sflag:s10] =	ssyncset.done $0x0  }
0x45: {  	s0 =	rddreg [dreg:$0x6];
	[sflag:s10] =	ssyncadd.s32 $0xFFFFE000  }
0x46: {  	[hbm4b:s0+s2] =	stream.linear.scatter [tilespmem:s8], [sflag:$0x5], $0x2000, $0x38;
	[tilespmem:$0x8800] =	vst v63  }
0x47: {  	_ =	swait.ge [sflag:s3], $0x2000  }
0x48: {  	[sflag:s3] =	ssyncset.done $0x0  }
0x49: {  	s0 =	rddreg [dreg:$0x7];
	[sflag:s3] =	ssyncadd.s32 $0xFFFFE000  }
0x4a: {  	[hbm4b:s0+s2] =	stream.linear.scatter [tilespmem:s6], [sflag:$0x5], $0x2000, $0x38;
	[tilespmem:$0x8800] =	vst v63  }
0x4b: {  	_ =	swait.ge [sflag:s3], $0x2000  }
0x4c: {  	[sflag:s3] =	ssyncset.done $0x0  }
0x4d: {  	[sflag:s3] =	ssyncadd.s32 $0xFFFFE000  }
0x4e: {  	[tilespmem:s8], [sflag:$0x2] =	stream.indirect.gather [hbm4b:s5+s13], $0x80, s24, s13, $0xb8;
	[tilespmem:$0x8800] =	vst v63  }
0x4f: {  	_ = 	snop  }
0x50: {  	[tilespmem:s6], [sflag:$0x4] =	stream.indirect.gather [hbm4b:s7+s13], $0x80, s25, s13, $0xb8;
	[tilespmem:$0x8800] =	vst v63  }
0x51: {  	_ =	swait.ge [sflag:s15], $0x2000  }
0x52: {  	[sflag:s15] =	ssyncset.done $0x0  }
0x53: {  	[sflag:s15] =	ssyncadd.s32 $0xFFFFE000  }
0x54: {  	_ =	swait.ge [sflag:s14], $0x2000  }
0x55: {  	[sflag:s14] =	ssyncset.done $0x0  }
0x56: {  	s0 =	rddreg [dreg:$0x8];
	[sflag:s14] =	ssyncadd.s32 $0xFFFFE000  }
0x57: {  	[hbm4b:s0+s2] =	stream.linear.scatter [tilespmem:s12], [sflag:$0x5], $0x2000, $0x38;
	[tilespmem:$0x8800] =	vst v63  }
0x58: {  	_ =	swait.ge [sflag:s3], $0x2000  }
0x59: {  	[sflag:s3] =	ssyncset.done $0x0  }
0x5a: {  	s0 =	rddreg [dreg:$0x9];
	[sflag:s3] =	ssyncadd.s32 $0xFFFFE000  }
0x5b: {  	[hbm4b:s0+s2] =	stream.linear.scatter [tilespmem:s9], [sflag:$0x5], $0x2000, $0x38;
	[tilespmem:$0x8800] =	vst v63  }
0x5c: {  	_ =	swait.ge [sflag:s3], $0x2000  }
0x5d: {  	[sflag:s3] =	ssyncset.done $0x0  }
0x5e: {  	[sflag:s3] =	ssyncadd.s32 $0xFFFFE000  }
0x5f: {  	[tilespmem:s12], [sflag:$0x1] =	stream.indirect.gather [hbm4b:s5+s13], $0x80, s22, s13, $0xb8;
	[tilespmem:$0x8800] =	vst v63  }
0x60: {  	_ = 	snop  }
0x61: {  	[tilespmem:s9], [sflag:$0x3] =	stream.indirect.gather [hbm4b:s7+s13], $0x80, s23, s13, $0xb8;
	[tilespmem:$0x8800] =	vst v63  }
0x62: {  	_ =	swait.ge [sflag:s11], $0x2000  }
0x63: {  	[sflag:s11] =	ssyncset.done $0x0  }
0x64: {  	[sflag:s11] =	ssyncadd.s32 $0xFFFFE000  }
0x65: {  	_ =	swait.ge [sflag:s10], $0x2000  }
0x66: {  	[sflag:s10] =	ssyncset.done $0x0  }
0x67: {  	s0 =	rddreg [dreg:$0xa];
	[sflag:s10] =	ssyncadd.s32 $0xFFFFE000  }
0x68: {  	[hbm4b:s0+s2] =	stream.linear.scatter [tilespmem:s8], [sflag:$0x5], $0x2000, $0x38;
	[tilespmem:$0x8800] =	vst v63  }
0x69: {  	_ =	swait.ge [sflag:s3], $0x2000  }
0x6a: {  	[sflag:s3] =	ssyncset.done $0x0  }
0x6b: {  	s0 =	rddreg [dreg:$0xb];
	[sflag:s3] =	ssyncadd.s32 $0xFFFFE000  }
0x6c: {  	[hbm4b:s0+s2] =	stream.linear.scatter [tilespmem:s6], [sflag:$0x5], $0x2000, $0x38;
	[tilespmem:$0x8800] =	vst v63  }
0x6d: {  	_ =	swait.ge [sflag:s3], $0x2000  }
0x6e: {  	[sflag:s3] =	ssyncset.done $0x0  }
0x6f: {  	[sflag:s3] =	ssyncadd.s32 $0xFFFFE000  }
0x70: {  	[tilespmem:s8], [sflag:$0x2] =	stream.indirect.gather [hbm4b:s5+s13], $0x80, s20, s13, $0xb8;
	[tilespmem:$0x8800] =	vst v63  }
0x71: {  	_ = 	snop  }
0x72: {  	[tilespmem:s6], [sflag:$0x4] =	stream.indirect.gather [hbm4b:s7+s13], $0x80, s21, s13, $0xb8;
	[tilespmem:$0x8800] =	vst v63  }
0x73: {  	_ =	swait.ge [sflag:s15], $0x2000  }
0x74: {  	[sflag:s15] =	ssyncset.done $0x0  }
0x75: {  	[sflag:s15] =	ssyncadd.s32 $0xFFFFE000  }
0x76: {  	_ =	swait.ge [sflag:s14], $0x2000  }
0x77: {  	[sflag:s14] =	ssyncset.done $0x0  }
0x78: {  	s0 =	rddreg [dreg:$0xc];
	[sflag:s14] =	ssyncadd.s32 $0xFFFFE000  }
0x79: {  	[hbm4b:s0+s2] =	stream.linear.scatter [tilespmem:s12], [sflag:$0x5], $0x2000, $0x38;
	[tilespmem:$0x8800] =	vst v63  }
0x7a: {  	_ =	swait.ge [sflag:s3], $0x2000  }
0x7b: {  	[sflag:s3] =	ssyncset.done $0x0  }
0x7c: {  	s0 =	rddreg [dreg:$0xd];
	[sflag:s3] =	ssyncadd.s32 $0xFFFFE000  }
0x7d: {  	[hbm4b:s0+s2] =	stream.linear.scatter [tilespmem:s9], [sflag:$0x5], $0x2000, $0x38;
	[tilespmem:$0x8800] =	vst v63  }
0x7e: {  	_ =	swait.ge [sflag:s3], $0x2000  }
0x7f: {  	[sflag:s3] =	ssyncset.done $0x0  }
0x80: {  	[sflag:s3] =	ssyncadd.s32 $0xFFFFE000  }
0x81: {  	[tilespmem:s12], [sflag:$0x1] =	stream.indirect.gather [hbm4b:s5+s13], $0x80, s18, s13, $0xb8;
	[tilespmem:$0x8800] =	vst v63  }
0x82: {  	_ = 	snop  }
0x83: {  	[tilespmem:s9], [sflag:$0x3] =	stream.indirect.gather [hbm4b:s7+s13], $0x80, s19, s13, $0xb8;
	[tilespmem:$0x8800] =	vst v63  }
0x84: {  	_ =	swait.ge [sflag:s11], $0x2000  }
0x85: {  	[sflag:s11] =	ssyncset.done $0x0  }
0x86: {  	[sflag:s11] =	ssyncadd.s32 $0xFFFFE000  }
0x87: {  	_ =	swait.ge [sflag:s10], $0x2000  }
0x88: {  	[sflag:s10] =	ssyncset.done $0x0  }
0x89: {  	s0 =	rddreg [dreg:$0xe];
	[sflag:s10] =	ssyncadd.s32 $0xFFFFE000  }
0x8a: {  	[hbm4b:s0+s2] =	stream.linear.scatter [tilespmem:s8], [sflag:$0x5], $0x2000, $0x38;
	[tilespmem:$0x8800] =	vst v63  }
0x8b: {  	_ =	swait.ge [sflag:s3], $0x2000  }
0x8c: {  	[sflag:s3] =	ssyncset.done $0x0  }
0x8d: {  	s0 =	rddreg [dreg:$0xf];
	[sflag:s3] =	ssyncadd.s32 $0xFFFFE000  }
0x8e: {  	[hbm4b:s0+s2] =	stream.linear.scatter [tilespmem:s6], [sflag:$0x5], $0x2000, $0x38;
	[tilespmem:$0x8800] =	vst v63  }
0x8f: {  	_ =	swait.ge [sflag:s3], $0x2000  }
0x90: {  	[sflag:s3] =	ssyncset.done $0x0  }
0x91: {  	[sflag:s3] =	ssyncadd.s32 $0xFFFFE000  }
0x92: {  	[tilespmem:s8], [sflag:$0x2] =	stream.indirect.gather [hbm4b:s5+s13], $0x80, s16, s13, $0xb8;
	[tilespmem:$0x8800] =	vst v63  }
0x93: {  	_ = 	snop  }
0x94: {  	[tilespmem:s6], [sflag:$0x4] =	stream.indirect.gather [hbm4b:s7+s13], $0x80, s17, s13, $0xb8;
	[tilespmem:$0x8800] =	vst v63  }
0x95: {  	_ =	swait.ge [sflag:s15], $0x2000  }
0x96: {  	[sflag:s15] =	ssyncset.done $0x0  }
0x97: {  	[sflag:s15] =	ssyncadd.s32 $0xFFFFE000  }
0x98: {  	_ =	swait.ge [sflag:s14], $0x2000  }
0x99: {  	[sflag:s14] =	ssyncset.done $0x0  }
0x9a: {  	s0 =	rddreg [dreg:$0x10];
	[sflag:s14] =	ssyncadd.s32 $0xFFFFE000  }
0x9b: {  	[hbm4b:s0+s2] =	stream.linear.scatter [tilespmem:s12], [sflag:$0x5], $0x2000, $0x38;
	[tilespmem:$0x8800] =	vst v63  }
0x9c: {  	_ =	swait.ge [sflag:s3], $0x2000  }
0x9d: {  	[sflag:s3] =	ssyncset.done $0x0  }
0x9e: {  	s0 =	rddreg [dreg:$0x11];
	[sflag:s3] =	ssyncadd.s32 $0xFFFFE000  }
0x9f: {  	[hbm4b:s0+s2] =	stream.linear.scatter [tilespmem:s9], [sflag:$0x5], $0x2000, $0x38;
	[tilespmem:$0x8800] =	vst v63  }
0xa0: {  	_ =	swait.ge [sflag:s3], $0x2000  }
0xa1: {  	[sflag:s3] =	ssyncset.done $0x0  }
0xa2: {  	[sflag:s3] =	ssyncadd.s32 $0xFFFFE000  }
0xa3: {  	_ =	swait.ge [sflag:s11], $0x2000  }
0xa4: {  	[sflag:s11] =	ssyncset.done $0x0  }
0xa5: {  	[sflag:s11] =	ssyncadd.s32 $0xFFFFE000  }
0xa6: {  	_ =	swait.ge [sflag:s10], $0x2000  }
0xa7: {  	[sflag:s10] =	ssyncset.done $0x0  }
0xa8: {  	s0 =	rddreg [dreg:$0x12];
	[sflag:s10] =	ssyncadd.s32 $0xFFFFE000  }
0xa9: {  	[hbm4b:s0+s2] =	stream.linear.scatter [tilespmem:s8], [sflag:$0x5], $0x2000, $0x38;
	[tilespmem:$0x8800] =	vst v63  }
0xaa: {  	p1 =	sne.s32 s1, $0x1;
	_ =	swait.ge [sflag:s3], $0x2000  }
.Ltmp1:
0xab: {  	[sflag:s3] =	ssyncset.done $0x0;
	(pc) =	sbr.rel @!p1 .LBB2_3-.Ltmp1, $4  }
0xac: {  	[sflag:s3] =	ssyncadd.s32 $0xFFFFE000  }
0xad: {  	[hbm4b:s4+s2] =	stream.linear.scatter [tilespmem:s6], [sflag:$0x5], $0x2000, $0x38;
	[tilespmem:$0x8800] =	vst v63  }
0xae: {  	s1 =	sadd.s32 $0xFFFFFFFF, s1;
	_ =	swait.ge [sflag:s3], $0x2000  }
0xaf: {  	p0 =	por $0x1, $0x1;
	s0 =	rddreg [dreg:$0x2];
	[sflag:s3] =	ssyncset.done $0x0  }
.LBB2_2:
0xb0: {  	[sflag:s3] =	ssyncadd.s32 $0xFFFFE000  }
0xb1: {  	[tilespmem:s2], [sflag:$0x5] =	stream.linear.gather [hbm4b:s0+s2], $0x400, $0x38;
	[tilespmem:$0x8800] =	vst v63  }
0xb2: {  	_ =	swait.ge [sflag:s3], $0x400  }
0xb3: {  	[sflag:s3] =	ssyncset.done $0x0  }
0xb4: {  	s0 =	rddreg [dreg:$0x3];
	[sflag:s3] =	ssyncadd.s32 $0xFFFFFC00  }
0xb5: {  	[tilespmem:s29], [sflag:$0x5] =	stream.linear.gather [hbm4b:s0+s2], $0x400, $0x38;
	[tilespmem:$0x8800] =	vst v63  }
0xb6: {  	_ =	swait.ge [sflag:s3], $0x400  }
0xb7: {  	[sflag:s3] =	ssyncset.done $0x0  }
0xb8: {  	[sflag:s3] =	ssyncadd.s32 $0xFFFFFC00  }
0xb9: {  	[tilespmem:s12], [sflag:$0x1] =	stream.indirect.gather [hbm4b:s5+s13], $0x80, s2, s13, $0xb8;
	[tilespmem:$0x8800] =	vst v63  }
0xba: {  	_ = 	snop  }
0xbb: {  	[tilespmem:s9], [sflag:$0x3] =	stream.indirect.gather [hbm4b:s7+s13], $0x80, s29, s13, $0xb8;
	[tilespmem:$0x8800] =	vst v63  }
0xbc: {  	_ = 	snop  }
0xbd: {  	[tilespmem:s8], [sflag:$0x2] =	stream.indirect.gather [hbm4b:s5+s13], $0x80, s30, s13, $0xb8;
	[tilespmem:$0x8800] =	vst v63  }
0xbe: {  	_ = 	snop  }
0xbf: {  	[tilespmem:s6], [sflag:$0x4] =	stream.indirect.gather [hbm4b:s7+s13], $0x80, s31, s13, $0xb8;
	[tilespmem:$0x8800] =	vst v63  }
0xc0: {  	_ =	swait.ge [sflag:s15], $0x2000  }
0xc1: {  	[sflag:s15] =	ssyncset.done $0x0  }
0xc2: {  	[sflag:s15] =	ssyncadd.s32 $0xFFFFE000  }
0xc3: {  	_ =	swait.ge [sflag:s14], $0x2000  }
0xc4: {  	[sflag:s14] =	ssyncset.done $0x0  }
0xc5: {  	s0 =	rddreg [dreg:$0x4];
	[sflag:s14] =	ssyncadd.s32 $0xFFFFE000  }
0xc6: {  	[hbm4b:s0+s2] =	stream.linear.scatter [tilespmem:s12], [sflag:$0x5], $0x2000, $0x38;
	[tilespmem:$0x8800] =	vst v63  }
0xc7: {  	_ =	swait.ge [sflag:s3], $0x2000  }
0xc8: {  	[sflag:s3] =	ssyncset.done $0x0  }
0xc9: {  	s0 =	rddreg [dreg:$0x5];
	[sflag:s3] =	ssyncadd.s32 $0xFFFFE000  }
0xca: {  	[hbm4b:s0+s2] =	stream.linear.scatter [tilespmem:s9], [sflag:$0x5], $0x2000, $0x38;
	[tilespmem:$0x8800] =	vst v63  }
0xcb: {  	_ =	swait.ge [sflag:s3], $0x2000  }
0xcc: {  	[sflag:s3] =	ssyncset.done $0x0  }
0xcd: {  	[sflag:s3] =	ssyncadd.s32 $0xFFFFE000  }
0xce: {  	[tilespmem:s12], [sflag:$0x1] =	stream.indirect.gather [hbm4b:s5+s13], $0x80, s26, s13, $0xb8;
	[tilespmem:$0x8800] =	vst v63  }
0xcf: {  	_ = 	snop  }
0xd0: {  	[tilespmem:s9], [sflag:$0x3] =	stream.indirect.gather [hbm4b:s7+s13], $0x80, s28, s13, $0xb8;
	[tilespmem:$0x8800] =	vst v63  }
0xd1: {  	_ =	swait.ge [sflag:s11], $0x2000  }
0xd2: {  	[sflag:s11] =	ssyncset.done $0x0  }
0xd3: {  	[sflag:s11] =	ssyncadd.s32 $0xFFFFE000  }
0xd4: {  	_ =	swait.ge [sflag:s10], $0x2000  }
0xd5: {  	[sflag:s10] =	ssyncset.done $0x0  }
0xd6: {  	s0 =	rddreg [dreg:$0x6];
	[sflag:s10] =	ssyncadd.s32 $0xFFFFE000  }
0xd7: {  	[hbm4b:s0+s2] =	stream.linear.scatter [tilespmem:s8], [sflag:$0x5], $0x2000, $0x38;
	[tilespmem:$0x8800] =	vst v63  }
0xd8: {  	_ =	swait.ge [sflag:s3], $0x2000  }
0xd9: {  	[sflag:s3] =	ssyncset.done $0x0  }
0xda: {  	s0 =	rddreg [dreg:$0x7];
	[sflag:s3] =	ssyncadd.s32 $0xFFFFE000  }
0xdb: {  	[hbm4b:s0+s2] =	stream.linear.scatter [tilespmem:s6], [sflag:$0x5], $0x2000, $0x38;
	[tilespmem:$0x8800] =	vst v63  }
0xdc: {  	_ =	swait.ge [sflag:s3], $0x2000  }
0xdd: {  	[sflag:s3] =	ssyncset.done $0x0  }
0xde: {  	[sflag:s3] =	ssyncadd.s32 $0xFFFFE000  }
0xdf: {  	[tilespmem:s8], [sflag:$0x2] =	stream.indirect.gather [hbm4b:s5+s13], $0x80, s24, s13, $0xb8;
	[tilespmem:$0x8800] =	vst v63  }
0xe0: {  	_ = 	snop  }
0xe1: {  	[tilespmem:s6], [sflag:$0x4] =	stream.indirect.gather [hbm4b:s7+s13], $0x80, s25, s13, $0xb8;
	[tilespmem:$0x8800] =	vst v63  }
0xe2: {  	_ =	swait.ge [sflag:s15], $0x2000  }
0xe3: {  	[sflag:s15] =	ssyncset.done $0x0  }
0xe4: {  	[sflag:s15] =	ssyncadd.s32 $0xFFFFE000  }
0xe5: {  	_ =	swait.ge [sflag:s14], $0x2000  }
0xe6: {  	[sflag:s14] =	ssyncset.done $0x0  }
0xe7: {  	s0 =	rddreg [dreg:$0x8];
	[sflag:s14] =	ssyncadd.s32 $0xFFFFE000  }
0xe8: {  	[hbm4b:s0+s2] =	stream.linear.scatter [tilespmem:s12], [sflag:$0x5], $0x2000, $0x38;
	[tilespmem:$0x8800] =	vst v63  }
0xe9: {  	_ =	swait.ge [sflag:s3], $0x2000  }
0xea: {  	[sflag:s3] =	ssyncset.done $0x0  }
0xeb: {  	s0 =	rddreg [dreg:$0x9];
	[sflag:s3] =	ssyncadd.s32 $0xFFFFE000  }
0xec: {  	[hbm4b:s0+s2] =	stream.linear.scatter [tilespmem:s9], [sflag:$0x5], $0x2000, $0x38;
	[tilespmem:$0x8800] =	vst v63  }
0xed: {  	_ =	swait.ge [sflag:s3], $0x2000  }
0xee: {  	[sflag:s3] =	ssyncset.done $0x0  }
0xef: {  	[sflag:s3] =	ssyncadd.s32 $0xFFFFE000  }
0xf0: {  	[tilespmem:s12], [sflag:$0x1] =	stream.indirect.gather [hbm4b:s5+s13], $0x80, s22, s13, $0xb8;
	[tilespmem:$0x8800] =	vst v63  }
0xf1: {  	_ = 	snop  }
0xf2: {  	[tilespmem:s9], [sflag:$0x3] =	stream.indirect.gather [hbm4b:s7+s13], $0x80, s23, s13, $0xb8;
	[tilespmem:$0x8800] =	vst v63  }
0xf3: {  	_ =	swait.ge [sflag:s11], $0x2000  }
0xf4: {  	[sflag:s11] =	ssyncset.done $0x0  }
0xf5: {  	[sflag:s11] =	ssyncadd.s32 $0xFFFFE000  }
0xf6: {  	_ =	swait.ge [sflag:s10], $0x2000  }
0xf7: {  	[sflag:s10] =	ssyncset.done $0x0  }
0xf8: {  	s0 =	rddreg [dreg:$0xa];
	[sflag:s10] =	ssyncadd.s32 $0xFFFFE000  }
0xf9: {  	[hbm4b:s0+s2] =	stream.linear.scatter [tilespmem:s8], [sflag:$0x5], $0x2000, $0x38;
	[tilespmem:$0x8800] =	vst v63  }
0xfa: {  	_ =	swait.ge [sflag:s3], $0x2000  }
0xfb: {  	[sflag:s3] =	ssyncset.done $0x0  }
0xfc: {  	s0 =	rddreg [dreg:$0xb];
	[sflag:s3] =	ssyncadd.s32 $0xFFFFE000  }
0xfd: {  	[hbm4b:s0+s2] =	stream.linear.scatter [tilespmem:s6], [sflag:$0x5], $0x2000, $0x38;
	[tilespmem:$0x8800] =	vst v63  }
0xfe: {  	_ =	swait.ge [sflag:s3], $0x2000  }
0xff: {  	[sflag:s3] =	ssyncset.done $0x0  }
0x100: {  	[sflag:s3] =	ssyncadd.s32 $0xFFFFE000  }
0x101: {  	[tilespmem:s8], [sflag:$0x2] =	stream.indirect.gather [hbm4b:s5+s13], $0x80, s20, s13, $0xb8;
	[tilespmem:$0x8800] =	vst v63  }
0x102: {  	_ = 	snop  }
0x103: {  	[tilespmem:s6], [sflag:$0x4] =	stream.indirect.gather [hbm4b:s7+s13], $0x80, s21, s13, $0xb8;
	[tilespmem:$0x8800] =	vst v63  }
0x104: {  	_ =	swait.ge [sflag:s15], $0x2000  }
0x105: {  	[sflag:s15] =	ssyncset.done $0x0  }
0x106: {  	[sflag:s15] =	ssyncadd.s32 $0xFFFFE000  }
0x107: {  	_ =	swait.ge [sflag:s14], $0x2000  }
0x108: {  	[sflag:s14] =	ssyncset.done $0x0  }
0x109: {  	s0 =	rddreg [dreg:$0xc];
	[sflag:s14] =	ssyncadd.s32 $0xFFFFE000  }
0x10a: {  	[hbm4b:s0+s2] =	stream.linear.scatter [tilespmem:s12], [sflag:$0x5], $0x2000, $0x38;
	[tilespmem:$0x8800] =	vst v63  }
0x10b: {  	_ =	swait.ge [sflag:s3], $0x2000  }
0x10c: {  	[sflag:s3] =	ssyncset.done $0x0  }
0x10d: {  	s0 =	rddreg [dreg:$0xd];
	[sflag:s3] =	ssyncadd.s32 $0xFFFFE000  }
0x10e: {  	[hbm4b:s0+s2] =	stream.linear.scatter [tilespmem:s9], [sflag:$0x5], $0x2000, $0x38;
	[tilespmem:$0x8800] =	vst v63  }
0x10f: {  	_ =	swait.ge [sflag:s3], $0x2000  }
0x110: {  	[sflag:s3] =	ssyncset.done $0x0  }
0x111: {  	[sflag:s3] =	ssyncadd.s32 $0xFFFFE000  }
0x112: {  	[tilespmem:s12], [sflag:$0x1] =	stream.indirect.gather [hbm4b:s5+s13], $0x80, s18, s13, $0xb8;
	[tilespmem:$0x8800] =	vst v63  }
0x113: {  	_ = 	snop  }
0x114: {  	[tilespmem:s9], [sflag:$0x3] =	stream.indirect.gather [hbm4b:s7+s13], $0x80, s19, s13, $0xb8;
	[tilespmem:$0x8800] =	vst v63  }
0x115: {  	_ =	swait.ge [sflag:s11], $0x2000  }
0x116: {  	[sflag:s11] =	ssyncset.done $0x0  }
0x117: {  	[sflag:s11] =	ssyncadd.s32 $0xFFFFE000  }
0x118: {  	_ =	swait.ge [sflag:s10], $0x2000  }
0x119: {  	[sflag:s10] =	ssyncset.done $0x0  }
0x11a: {  	s0 =	rddreg [dreg:$0xe];
	[sflag:s10] =	ssyncadd.s32 $0xFFFFE000  }
0x11b: {  	[hbm4b:s0+s2] =	stream.linear.scatter [tilespmem:s8], [sflag:$0x5], $0x2000, $0x38;
	[tilespmem:$0x8800] =	vst v63  }
0x11c: {  	_ =	swait.ge [sflag:s3], $0x2000  }
0x11d: {  	[sflag:s3] =	ssyncset.done $0x0  }
0x11e: {  	s0 =	rddreg [dreg:$0xf];
	[sflag:s3] =	ssyncadd.s32 $0xFFFFE000  }
0x11f: {  	[hbm4b:s0+s2] =	stream.linear.scatter [tilespmem:s6], [sflag:$0x5], $0x2000, $0x38;
	[tilespmem:$0x8800] =	vst v63  }
0x120: {  	_ =	swait.ge [sflag:s3], $0x2000  }
0x121: {  	[sflag:s3] =	ssyncset.done $0x0  }
0x122: {  	[sflag:s3] =	ssyncadd.s32 $0xFFFFE000  }
0x123: {  	[tilespmem:s8], [sflag:$0x2] =	stream.indirect.gather [hbm4b:s5+s13], $0x80, s16, s13, $0xb8;
	[tilespmem:$0x8800] =	vst v63  }
0x124: {  	_ = 	snop  }
0x125: {  	[tilespmem:s6], [sflag:$0x4] =	stream.indirect.gather [hbm4b:s7+s13], $0x80, s17, s13, $0xb8;
	[tilespmem:$0x8800] =	vst v63  }
0x126: {  	_ =	swait.ge [sflag:s15], $0x2000  }
0x127: {  	[sflag:s15] =	ssyncset.done $0x0  }
0x128: {  	[sflag:s15] =	ssyncadd.s32 $0xFFFFE000  }
0x129: {  	_ =	swait.ge [sflag:s14], $0x2000  }
0x12a: {  	[sflag:s14] =	ssyncset.done $0x0  }
0x12b: {  	s0 =	rddreg [dreg:$0x10];
	[sflag:s14] =	ssyncadd.s32 $0xFFFFE000  }
0x12c: {  	[hbm4b:s0+s2] =	stream.linear.scatter [tilespmem:s12], [sflag:$0x5], $0x2000, $0x38;
	[tilespmem:$0x8800] =	vst v63  }
0x12d: {  	_ =	swait.ge [sflag:s3], $0x2000  }
0x12e: {  	[sflag:s3] =	ssyncset.done $0x0  }
0x12f: {  	s0 =	rddreg [dreg:$0x11];
	[sflag:s3] =	ssyncadd.s32 $0xFFFFE000  }
0x130: {  	[hbm4b:s0+s2] =	stream.linear.scatter [tilespmem:s9], [sflag:$0x5], $0x2000, $0x38;
	[tilespmem:$0x8800] =	vst v63  }
0x131: {  	_ =	swait.ge [sflag:s3], $0x2000  }
0x132: {  	[sflag:s3] =	ssyncset.done $0x0  }
0x133: {  	[sflag:s3] =	ssyncadd.s32 $0xFFFFE000  }
0x134: {  	_ =	swait.ge [sflag:s11], $0x2000  }
0x135: {  	[sflag:s11] =	ssyncset.done $0x0  }
0x136: {  	[sflag:s11] =	ssyncadd.s32 $0xFFFFE000  }
0x137: {  	_ =	swait.ge [sflag:s10], $0x2000  }
0x138: {  	[sflag:s10] =	ssyncset.done $0x0  }
0x139: {  	s0 =	rddreg [dreg:$0x12];
	[sflag:s10] =	ssyncadd.s32 $0xFFFFE000  }
0x13a: {  	[hbm4b:s0+s2] =	stream.linear.scatter [tilespmem:s8], [sflag:$0x5], $0x2000, $0x38;
	[tilespmem:$0x8800] =	vst v63  }
0x13b: {  	p1 =	sne.s32 s1, $0x1;
	_ =	swait.ge [sflag:s3], $0x2000  }
.Ltmp2:
0x13c: {  	[sflag:s3] =	ssyncset.done $0x0;
	(pc) =	sbr.rel @p1 .LBB2_2-.Ltmp2, $4  }
0x13d: {  	[sflag:s3] =	ssyncadd.s32 $0xFFFFE000  }
0x13e: {  	[hbm4b:s4+s2] =	stream.linear.scatter [tilespmem:s6], [sflag:$0x5], $0x2000, $0x38;
	[tilespmem:$0x8800] =	vst v63  }
0x13f: {  	_ =	swait.ge [sflag:s3], $0x2000  }
0x140: {  	s1 =	sadd.s32 $0xFFFFFFFF, s1;
	s0 =	rddreg [dreg:$0x2];
	[sflag:s3] =	ssyncset.done $0x0  }
.LBB2_3:
0x141: {  	[sflag:s3] =	ssyncadd.s32 @p0 $0xFFFFE000  }
0x142: {  	[tilespmem:s2], [sflag:$0x5] =	stream.linear.gather [hbm4b:s0+s2], $0x400, $0x38;
	[tilespmem:$0x8800] =	vst v63  }
0x143: {  	_ =	swait.ge [sflag:s3], $0x400  }
0x144: {  	[sflag:s3] =	ssyncset.done $0x0  }
0x145: {  	s1 =	rddreg [dreg:$0x3];
	[sflag:s3] =	ssyncadd.s32 $0xFFFFFC00  }
0x146: {  	[tilespmem:s29], [sflag:$0x5] =	stream.linear.gather [hbm4b:s1+s2], $0x400, $0x38;
	[tilespmem:$0x8800] =	vst v63  }
0x147: {  	_ =	swait.ge [sflag:s3], $0x400  }
0x148: {  	[sflag:s3] =	ssyncset.done $0x0  }
0x149: {  	[sflag:s3] =	ssyncadd.s32 $0xFFFFFC00  }
0x14a: {  	[tilespmem:s12], [sflag:$0x1] =	stream.indirect.gather [hbm4b:s5+s13], $0x80, s2, s13, $0xb8;
	[tilespmem:$0x8800] =	vst v63  }
0x14b: {  	_ = 	snop  }
0x14c: {  	[tilespmem:s9], [sflag:$0x3] =	stream.indirect.gather [hbm4b:s7+s13], $0x80, s29, s13, $0xb8;
	[tilespmem:$0x8800] =	vst v63  }
0x14d: {  	_ = 	snop  }
0x14e: {  	[tilespmem:s8], [sflag:$0x2] =	stream.indirect.gather [hbm4b:s5+s13], $0x80, s30, s13, $0xb8;
	[tilespmem:$0x8800] =	vst v63  }
0x14f: {  	_ = 	snop  }
0x150: {  	[tilespmem:s6], [sflag:$0x4] =	stream.indirect.gather [hbm4b:s7+s13], $0x80, s31, s13, $0xb8;
	[tilespmem:$0x8800] =	vst v63  }
0x151: {  	_ =	swait.ge [sflag:s15], $0x2000  }
0x152: {  	[sflag:s15] =	ssyncset.done $0x0  }
0x153: {  	[sflag:s15] =	ssyncadd.s32 $0xFFFFE000  }
0x154: {  	_ =	swait.ge [sflag:s14], $0x2000  }
0x155: {  	[sflag:s14] =	ssyncset.done $0x0  }
0x156: {  	s31 =	rddreg [dreg:$0x4];
	[sflag:s14] =	ssyncadd.s32 $0xFFFFE000  }
0x157: {  	[hbm4b:s31+s2] =	stream.linear.scatter [tilespmem:s12], [sflag:$0x5], $0x2000, $0x38;
	[tilespmem:$0x8800] =	vst v63  }
0x158: {  	_ =	swait.ge [sflag:s3], $0x2000  }
0x159: {  	[sflag:s3] =	ssyncset.done $0x0  }
0x15a: {  	s1 =	rddreg [dreg:$0x5];
	[sflag:s3] =	ssyncadd.s32 $0xFFFFE000  }
0x15b: {  	[hbm4b:s1+s2] =	stream.linear.scatter [tilespmem:s9], [sflag:$0x5], $0x2000, $0x38;
	[tilespmem:$0x8800] =	vst v63  }
0x15c: {  	_ =	swait.ge [sflag:s3], $0x2000  }
0x15d: {  	[sflag:s3] =	ssyncset.done $0x0  }
0x15e: {  	[sflag:s3] =	ssyncadd.s32 $0xFFFFE000  }
0x15f: {  	[tilespmem:s12], [sflag:$0x1] =	stream.indirect.gather [hbm4b:s5+s13], $0x80, s26, s13, $0xb8;
	[tilespmem:$0x8800] =	vst v63  }
0x160: {  	_ = 	snop  }
0x161: {  	[tilespmem:s9], [sflag:$0x3] =	stream.indirect.gather [hbm4b:s7+s13], $0x80, s28, s13, $0xb8;
	[tilespmem:$0x8800] =	vst v63  }
0x162: {  	_ =	swait.ge [sflag:s11], $0x2000  }
0x163: {  	[sflag:s11] =	ssyncset.done $0x0  }
0x164: {  	[sflag:s11] =	ssyncadd.s32 $0xFFFFE000  }
0x165: {  	_ =	swait.ge [sflag:s10], $0x2000  }
0x166: {  	[sflag:s10] =	ssyncset.done $0x0  }
0x167: {  	s28 =	rddreg [dreg:$0x6];
	[sflag:s10] =	ssyncadd.s32 $0xFFFFE000  }
0x168: {  	[hbm4b:s28+s2] =	stream.linear.scatter [tilespmem:s8], [sflag:$0x5], $0x2000, $0x38;
	[tilespmem:$0x8800] =	vst v63  }
0x169: {  	_ =	swait.ge [sflag:s3], $0x2000  }
0x16a: {  	[sflag:s3] =	ssyncset.done $0x0  }
0x16b: {  	s29 =	rddreg [dreg:$0x7];
	[sflag:s3] =	ssyncadd.s32 $0xFFFFE000  }
0x16c: {  	[hbm4b:s29+s2] =	stream.linear.scatter [tilespmem:s6], [sflag:$0x5], $0x2000, $0x38;
	[tilespmem:$0x8800] =	vst v63  }
0x16d: {  	_ =	swait.ge [sflag:s3], $0x2000  }
0x16e: {  	[sflag:s3] =	ssyncset.done $0x0  }
0x16f: {  	[sflag:s3] =	ssyncadd.s32 $0xFFFFE000  }
0x170: {  	[tilespmem:s8], [sflag:$0x2] =	stream.indirect.gather [hbm4b:s5+s13], $0x80, s24, s13, $0xb8;
	[tilespmem:$0x8800] =	vst v63  }
0x171: {  	_ = 	snop  }
0x172: {  	[tilespmem:s6], [sflag:$0x4] =	stream.indirect.gather [hbm4b:s7+s13], $0x80, s25, s13, $0xb8;
	[tilespmem:$0x8800] =	vst v63  }
0x173: {  	_ =	swait.ge [sflag:s15], $0x2000  }
0x174: {  	[sflag:s15] =	ssyncset.done $0x0  }
0x175: {  	[sflag:s15] =	ssyncadd.s32 $0xFFFFE000  }
0x176: {  	_ =	swait.ge [sflag:s14], $0x2000  }
0x177: {  	[sflag:s14] =	ssyncset.done $0x0  }
0x178: {  	s30 =	rddreg [dreg:$0x8];
	[sflag:s14] =	ssyncadd.s32 $0xFFFFE000  }
0x179: {  	[hbm4b:s30+s2] =	stream.linear.scatter [tilespmem:s12], [sflag:$0x5], $0x2000, $0x38;
	[tilespmem:$0x8800] =	vst v63  }
0x17a: {  	_ =	swait.ge [sflag:s3], $0x2000  }
0x17b: {  	[sflag:s3] =	ssyncset.done $0x0  }
0x17c: {  	s31 =	rddreg [dreg:$0x9];
	[sflag:s3] =	ssyncadd.s32 $0xFFFFE000  }
0x17d: {  	[hbm4b:s31+s2] =	stream.linear.scatter [tilespmem:s9], [sflag:$0x5], $0x2000, $0x38;
	[tilespmem:$0x8800] =	vst v63  }
0x17e: {  	_ =	swait.ge [sflag:s3], $0x2000  }
0x17f: {  	[sflag:s3] =	ssyncset.done $0x0  }
0x180: {  	[sflag:s3] =	ssyncadd.s32 $0xFFFFE000  }
0x181: {  	[tilespmem:s12], [sflag:$0x1] =	stream.indirect.gather [hbm4b:s5+s13], $0x80, s22, s13, $0xb8;
	[tilespmem:$0x8800] =	vst v63  }
0x182: {  	_ = 	snop  }
0x183: {  	[tilespmem:s9], [sflag:$0x3] =	stream.indirect.gather [hbm4b:s7+s13], $0x80, s23, s13, $0xb8;
	[tilespmem:$0x8800] =	vst v63  }
0x184: {  	_ =	swait.ge [sflag:s11], $0x2000  }
0x185: {  	[sflag:s11] =	ssyncset.done $0x0  }
0x186: {  	[sflag:s11] =	ssyncadd.s32 $0xFFFFE000  }
0x187: {  	_ =	swait.ge [sflag:s10], $0x2000  }
0x188: {  	[sflag:s10] =	ssyncset.done $0x0  }
0x189: {  	s1 =	rddreg [dreg:$0xa];
	[sflag:s10] =	ssyncadd.s32 $0xFFFFE000  }
0x18a: {  	[hbm4b:s1+s2] =	stream.linear.scatter [tilespmem:s8], [sflag:$0x5], $0x2000, $0x38;
	[tilespmem:$0x8800] =	vst v63  }
0x18b: {  	_ =	swait.ge [sflag:s3], $0x2000  }
0x18c: {  	[sflag:s3] =	ssyncset.done $0x0  }
0x18d: {  	s22 =	rddreg [dreg:$0xb];
	[sflag:s3] =	ssyncadd.s32 $0xFFFFE000  }
0x18e: {  	[hbm4b:s22+s2] =	stream.linear.scatter [tilespmem:s6], [sflag:$0x5], $0x2000, $0x38;
	[tilespmem:$0x8800] =	vst v63  }
0x18f: {  	_ =	swait.ge [sflag:s3], $0x2000  }
0x190: {  	[sflag:s3] =	ssyncset.done $0x0  }
0x191: {  	[sflag:s3] =	ssyncadd.s32 $0xFFFFE000  }
0x192: {  	[tilespmem:s8], [sflag:$0x2] =	stream.indirect.gather [hbm4b:s5+s13], $0x80, s20, s13, $0xb8;
	[tilespmem:$0x8800] =	vst v63  }
0x193: {  	_ = 	snop  }
0x194: {  	[tilespmem:s6], [sflag:$0x4] =	stream.indirect.gather [hbm4b:s7+s13], $0x80, s21, s13, $0xb8;
	[tilespmem:$0x8800] =	vst v63  }
0x195: {  	_ =	swait.ge [sflag:s15], $0x2000  }
0x196: {  	[sflag:s15] =	ssyncset.done $0x0  }
0x197: {  	[sflag:s15] =	ssyncadd.s32 $0xFFFFE000  }
0x198: {  	_ =	swait.ge [sflag:s14], $0x2000  }
0x199: {  	[sflag:s14] =	ssyncset.done $0x0  }
0x19a: {  	s23 =	rddreg [dreg:$0xc];
	[sflag:s14] =	ssyncadd.s32 $0xFFFFE000  }
0x19b: {  	[hbm4b:s23+s2] =	stream.linear.scatter [tilespmem:s12], [sflag:$0x5], $0x2000, $0x38;
	[tilespmem:$0x8800] =	vst v63  }
0x19c: {  	_ =	swait.ge [sflag:s3], $0x2000  }
0x19d: {  	[sflag:s3] =	ssyncset.done $0x0  }
0x19e: {  	s24 =	rddreg [dreg:$0xd];
	[sflag:s3] =	ssyncadd.s32 $0xFFFFE000  }
0x19f: {  	[hbm4b:s24+s2] =	stream.linear.scatter [tilespmem:s9], [sflag:$0x5], $0x2000, $0x38;
	[tilespmem:$0x8800] =	vst v63  }
0x1a0: {  	_ =	swait.ge [sflag:s3], $0x2000  }
0x1a1: {  	[sflag:s3] =	ssyncset.done $0x0  }
0x1a2: {  	[sflag:s3] =	ssyncadd.s32 $0xFFFFE000  }
0x1a3: {  	[tilespmem:s12], [sflag:$0x1] =	stream.indirect.gather [hbm4b:s5+s13], $0x80, s18, s13, $0xb8;
	[tilespmem:$0x8800] =	vst v63  }
0x1a4: {  	_ = 	snop  }
0x1a5: {  	[tilespmem:s9], [sflag:$0x3] =	stream.indirect.gather [hbm4b:s7+s13], $0x80, s19, s13, $0xb8;
	[tilespmem:$0x8800] =	vst v63  }
0x1a6: {  	_ =	swait.ge [sflag:s11], $0x2000  }
0x1a7: {  	[sflag:s11] =	ssyncset.done $0x0  }
0x1a8: {  	[sflag:s11] =	ssyncadd.s32 $0xFFFFE000  }
0x1a9: {  	_ =	swait.ge [sflag:s10], $0x2000  }
0x1aa: {  	[sflag:s10] =	ssyncset.done $0x0  }
0x1ab: {  	s25 =	rddreg [dreg:$0xe];
	[sflag:s10] =	ssyncadd.s32 $0xFFFFE000  }
0x1ac: {  	[hbm4b:s25+s2] =	stream.linear.scatter [tilespmem:s8], [sflag:$0x5], $0x2000, $0x38;
	[tilespmem:$0x8800] =	vst v63  }
0x1ad: {  	_ =	swait.ge [sflag:s3], $0x2000  }
0x1ae: {  	[sflag:s3] =	ssyncset.done $0x0  }
0x1af: {  	s26 =	rddreg [dreg:$0xf];
	[sflag:s3] =	ssyncadd.s32 $0xFFFFE000  }
0x1b0: {  	[hbm4b:s26+s2] =	stream.linear.scatter [tilespmem:s6], [sflag:$0x5], $0x2000, $0x38;
	[tilespmem:$0x8800] =	vst v63  }
0x1b1: {  	_ =	swait.ge [sflag:s3], $0x2000  }
0x1b2: {  	[sflag:s3] =	ssyncset.done $0x0  }
0x1b3: {  	[sflag:s3] =	ssyncadd.s32 $0xFFFFE000  }
0x1b4: {  	[tilespmem:s8], [sflag:$0x2] =	stream.indirect.gather [hbm4b:s5+s13], $0x80, s16, s13, $0xb8;
	[tilespmem:$0x8800] =	vst v63  }
0x1b5: {  	_ = 	snop  }
0x1b6: {  	[tilespmem:s6], [sflag:$0x4] =	stream.indirect.gather [hbm4b:s7+s13], $0x80, s17, s13, $0xb8;
	[tilespmem:$0x8800] =	vst v63  }
0x1b7: {  	_ =	swait.ge [sflag:s15], $0x2000  }
0x1b8: {  	[sflag:s15] =	ssyncset.done $0x0  }
0x1b9: {  	[sflag:s15] =	ssyncadd.s32 $0xFFFFE000  }
0x1ba: {  	_ =	swait.ge [sflag:s14], $0x2000  }
0x1bb: {  	[sflag:s14] =	ssyncset.done $0x0  }
0x1bc: {  	s28 =	rddreg [dreg:$0x10];
	[sflag:s14] =	ssyncadd.s32 $0xFFFFE000  }
0x1bd: {  	[hbm4b:s28+s2] =	stream.linear.scatter [tilespmem:s12], [sflag:$0x5], $0x2000, $0x38;
	[tilespmem:$0x8800] =	vst v63  }
0x1be: {  	_ =	swait.ge [sflag:s3], $0x2000  }
0x1bf: {  	[sflag:s3] =	ssyncset.done $0x0  }
0x1c0: {  	s29 =	rddreg [dreg:$0x11];
	[sflag:s3] =	ssyncadd.s32 $0xFFFFE000  }
0x1c1: {  	[hbm4b:s29+s2] =	stream.linear.scatter [tilespmem:s9], [sflag:$0x5], $0x2000, $0x38;
	[tilespmem:$0x8800] =	vst v63  }
0x1c2: {  	_ =	swait.ge [sflag:s3], $0x2000  }
0x1c3: {  	[sflag:s3] =	ssyncset.done $0x0  }
0x1c4: {  	[sflag:s3] =	ssyncadd.s32 $0xFFFFE000  }
0x1c5: {  	_ =	swait.ge [sflag:s11], $0x2000  }
0x1c6: {  	[sflag:s11] =	ssyncset.done $0x0  }
0x1c7: {  	[sflag:s11] =	ssyncadd.s32 $0xFFFFE000  }
0x1c8: {  	_ =	swait.ge [sflag:s10], $0x2000  }
0x1c9: {  	[sflag:s10] =	ssyncset.done $0x0  }
0x1ca: {  	s30 =	rddreg [dreg:$0x12];
	[sflag:s10] =	ssyncadd.s32 $0xFFFFE000  }
0x1cb: {  	[hbm4b:s30+s2] =	stream.linear.scatter [tilespmem:s8], [sflag:$0x5], $0x2000, $0x38;
	[tilespmem:$0x8800] =	vst v63  }
0x1cc: {  	_ =	swait.ge [sflag:s3], $0x2000  }
0x1cd: {  	[sflag:s3] =	ssyncset.done $0x0  }
0x1ce: {  	[sflag:s3] =	ssyncadd.s32 $0xFFFFE000  }
0x1cf: {  	[hbm4b:s4+s2] =	stream.linear.scatter [tilespmem:s6], [sflag:$0x5], $0x2000, $0x38;
	[tilespmem:$0x8800] =	vst v63  }
0x1d0: {  	_ =	swait.ge [sflag:s3], $0x2000  }
0x1d1: {  	[sflag:s3] =	ssyncset.done $0x0  }
0x1d2: {  	[sflag:s3] =	ssyncadd.s32 $0xFFFFE000  }
0x1d3: {  	_ =	sfence.sel $0x180000  }
0x1d4: {  	[bflag:$0x0] =	sbarrier.arrive $0xFFFF  }
0x1d5: {  	_ =	strace $0x90000047  }
0x1d6: {  	s31 =	stileid.u32;
	[bflag:$0x2] =	sbarrier.arrive $0xFFFF  }
0x1d7: {  	p0 =	sne.s32 s31, $0x0;
	s0 =	rddreg [dreg:$0x1]  }
0x1d8: {  	s0 =	sadd.s32 @!p0 $0x100000, s0  }
0x1d9: {  	[sflag:s0] =	ssyncadd.tile.s32 @!p0 $0x1;
	_ =	shalt  }
.Lfunc_end2:
_tile_overlayer_lowered:
.L_overlay_start_2:
0x1da: {  	(tag) =	ssettag $0x2  }
0x1db: {  	s0 =	rddreg [dreg:$0x0];
	s2 =	stileid.u32  }
0x1dc: {  	s1 =	rddreg [dreg:$0x1];
	p0 =	sne.s32 s2, $0x0  }
0x1dd: {  	s3 =	rddreg [dreg:$0x2];
	[bflag:$0x3] =	sbarrier.arrive $0xFFFF;
	s2 =	simm.s32 @!p0 $0x1C05  }
0x1de: {  	[timem:s3], [sflag:s2] =	dma.local @!p0 [hbm:s0], s1  }
0x1df: {  	s0 =	simm.s32 @!p0 $0x5  }
0x1e0: {  	_ =	swait.ge @!p0 [sflag:s0], s1  }
0x1e1: {  	s1 =	ssub.s32 @!p0 $0x0, s1;
	[sflag:s0] =	ssyncset.done @!p0 $0x0  }
0x1e2: {  	[sflag:s0] =	ssyncadd.s32 @!p0 s1  }
0x1e3: {  	[bflag:$0x3] =	sbarrier.arrive $0xFFFF  }
0x1e4: {  	_ =	shalt  }

</sc_bundles>
